<compile_context>
chip_gen: v7x
topology: tpu7x:2x2x1
jax: 0.10.2.dev20260603
libtpu: 0.0.44.dev20260713+nightly
codegen_flags: <defaults>
</compile_context>

<pallas_src>
import jax
import jax.numpy as jnp
from jax import lax
from jax.experimental import pallas as pl
from jax.experimental.pallas import tpu as pltpu
from jax.experimental.pallas import tpu_sc as plsc

N = 10000
E = 320000
C0 = 128
H = 256
NC = 2
NS = 16
KB = 80
NP = 10240
RPT = NP // NS


def _scale_rows(rows_v, pk_v):

  def edge(e, carry):
    wbits = plsc.load_gather(pk_v, (jnp.full((16,), 4 * e + 3, jnp.int32),))
    wspl = plsc.bitcast(wbits, jnp.float32)
    for j in range(C0 // 16):
      sl = pl.ds(j * 16, 16)
      rows_v[e, sl] = rows_v[e, sl] * wspl
    return carry

  lax.fori_loop(0, KB, edge, 0)


def _unpack_idx(pk_v, col, out_v):
  lanes4 = lax.iota(jnp.int32, 16) * 4
  for g in range(KB // 16):
    idx = lanes4 + (4 * 16 * g) + col
    out_v[pl.ds(g * 16, 16)] = plsc.load_gather(pk_v, (idx,))


def _zero_acc(z128_hbm, acc, r0):
  pltpu.sync_copy(z128_hbm.at[pl.ds(r0, RPT)], acc.at[pl.ds(r0, RPT)])


def _sc_layer0(x_hbm, pk_hbm, z128_hbm,
               agg_out, deg_out,
               src_v, dst_v, pk_v, rows_v, ones_v, acc, sem):
  c = lax.axis_index("c")
  s = lax.axis_index("s")
  r0 = s * RPT
  _zero_acc(z128_hbm, acc, r0)

  def fill_ones(e, carry):
    for j in range(C0 // 16):
      ones_v[e, pl.ds(j * 16, 16)] = jnp.full((16,), 1.0, jnp.float32)
    return carry

  lax.fori_loop(0, KB, fill_ones, 0)
  plsc.subcore_barrier()

  epw = E // (NC * NS)
  base0 = (s * NC + c) * epw
  nb = epw // KB

  def batch(i, carry):
    base = base0 + i * KB
    pltpu.sync_copy(pk_hbm.at[pl.ds(4 * base, 4 * KB)], pk_v)
    _unpack_idx(pk_v, 0, src_v)
    _unpack_idx(pk_v, 2, dst_v)
    pltpu.async_copy(x_hbm.at[src_v], rows_v, sem).wait()
    _scale_rows(rows_v, pk_v)
    pltpu.sync_copy(rows_v, acc.at[dst_v], add=True)
    return carry

  lax.fori_loop(0, nb, batch, 0)
  plsc.subcore_barrier()
  pltpu.sync_copy(acc.at[pl.ds(r0, RPT)], agg_out.at[c, pl.ds(r0, RPT)])
  plsc.subcore_barrier()

  _zero_acc(z128_hbm, acc, r0)
  plsc.subcore_barrier()

  def dbatch(i, carry):
    base = base0 + i * KB
    pltpu.sync_copy(pk_hbm.at[pl.ds(4 * base, 4 * KB)], pk_v)
    _unpack_idx(pk_v, 2, dst_v)
    pltpu.sync_copy(ones_v, acc.at[dst_v], add=True)
    return carry

  lax.fori_loop(0, nb, dbatch, 0)
  plsc.subcore_barrier()
  pltpu.sync_copy(acc.at[pl.ds(r0, RPT)], deg_out.at[c, pl.ds(r0, RPT)])


def _sc_layer_k(tab_hbm, pk_hbm, z128_hbm,
                agg_out,
                src_v, dst_v, pk_v, rows_v, acc, sem):
  c = lax.axis_index("c")
  s = lax.axis_index("s")
  r0 = s * RPT
  _zero_acc(z128_hbm, acc, r0)
  plsc.subcore_barrier()

  epw = E // NS
  base0 = s * epw
  nb = epw // KB

  def batch(i, carry):
    base = base0 + i * KB
    pltpu.sync_copy(pk_hbm.at[pl.ds(4 * base, 4 * KB)], pk_v)
    _unpack_idx(pk_v, c, src_v)
    _unpack_idx(pk_v, 2, dst_v)
    pltpu.async_copy(tab_hbm.at[src_v], rows_v, sem).wait()
    _scale_rows(rows_v, pk_v)
    pltpu.sync_copy(rows_v, acc.at[dst_v], add=True)
    return carry

  lax.fori_loop(0, nb, batch, 0)
  plsc.subcore_barrier()
  pltpu.sync_copy(acc.at[pl.ds(r0, RPT)], agg_out.at[c, pl.ds(r0, RPT)])


_SC_MESH = plsc.VectorSubcoreMesh(core_axis_name="c", subcore_axis_name="s")
_SC_PARAMS = pltpu.CompilerParams(needs_layout_passes=False)

_sc_layer0_call = pl.kernel(
    _sc_layer0,
    out_type=(
        jax.ShapeDtypeStruct((NC, NP, C0), jnp.float32),
        jax.ShapeDtypeStruct((NC, NP, C0), jnp.float32),
    ),
    mesh=_SC_MESH,
    scratch_types=[
        pltpu.VMEM((KB,), jnp.int32),
        pltpu.VMEM((KB,), jnp.int32),
        pltpu.VMEM((4 * KB,), jnp.int32),
        pltpu.VMEM((KB, C0), jnp.float32),
        pltpu.VMEM((KB, C0), jnp.float32),
        pltpu.VMEM_SHARED((NP, C0), jnp.float32),
        pltpu.SemaphoreType.DMA,
    ],
    compiler_params=_SC_PARAMS,
)

_sc_layer_k_call = pl.kernel(
    _sc_layer_k,
    out_type=jax.ShapeDtypeStruct((NC, NP, C0), jnp.float32),
    mesh=_SC_MESH,
    scratch_types=[
        pltpu.VMEM((KB,), jnp.int32),
        pltpu.VMEM((KB,), jnp.int32),
        pltpu.VMEM((4 * KB,), jnp.int32),
        pltpu.VMEM((KB, C0), jnp.float32),
        pltpu.VMEM_SHARED((NP, C0), jnp.float32),
        pltpu.SemaphoreType.DMA,
    ],
    compiler_params=_SC_PARAMS,
)

_R = 1000


def _recip_deg(deg_ref):
  deg = deg_ref[0, :, 0:1] + deg_ref[1, :, 0:1]
  return 1.0 / jnp.maximum(deg, 1.0)


def _tc_layer0(eps_ref, x_ref, agg_ref, deg_ref, w_ref, b_ref, out_ref):
  recip = _recip_deg(deg_ref)
  neigh = (agg_ref[0] + agg_ref[1]) * recip
  rst = (1.0 + eps_ref[0]) * x_ref[...] + neigh
  h = lax.dot_general(rst, w_ref[...], (((1,), (1,)), ((), ())),
                      preferred_element_type=jnp.float32) + b_ref[...]
  h = jnp.maximum(h, 0.0)
  out_ref[0] = h[:, :C0]
  out_ref[1] = h[:, C0:]


def _tc_layer1(eps_ref, hh_ref, agg_ref, deg_ref, w_ref, b_ref, out_ref):
  recip = _recip_deg(deg_ref)
  hcat = jnp.concatenate([hh_ref[0], hh_ref[1]], axis=1)
  neigh = jnp.concatenate([agg_ref[0], agg_ref[1]], axis=1) * recip
  rst = (1.0 + eps_ref[1]) * hcat + neigh
  h = lax.dot_general(rst, w_ref[...], (((1,), (1,)), ((), ())),
                      preferred_element_type=jnp.float32) + b_ref[...]
  h = jnp.maximum(h, 0.0)
  out_ref[0] = h[:, :C0]
  out_ref[1] = h[:, C0:]


def _tc_layer2(eps_ref, hh_ref, agg_ref, deg_ref, w_ref, b_ref, out_ref):
  recip = _recip_deg(deg_ref)
  hcat = jnp.concatenate([hh_ref[0], hh_ref[1]], axis=1)
  neigh = jnp.concatenate([agg_ref[0], agg_ref[1]], axis=1) * recip
  rst = (1.0 + eps_ref[2]) * hcat + neigh
  h = lax.dot_general(rst, w_ref[...], (((1,), (1,)), ((), ())),
                      preferred_element_type=jnp.float32) + b_ref[...]
  out_ref[...] = h

  @pl.when(pl.program_id(0) == 0)
  def _():
    out_ref[0:1, :] = jnp.zeros((1, H), jnp.float32)


def _tc_call(body, in_specs, out_specs, out_shape):
  return pl.pallas_call(
      body,
      grid=(N // _R,),
      in_specs=in_specs,
      out_specs=out_specs,
      out_shape=out_shape,
  )


_eps_spec = pl.BlockSpec(memory_space=pltpu.SMEM)
_w1_spec = pl.BlockSpec((H, C0), lambda i: (0, 0))
_w2_spec = pl.BlockSpec((H, H), lambda i: (0, 0))
_b_spec = pl.BlockSpec((1, H), lambda i: (0, 0))
_half_spec = pl.BlockSpec((NC, _R, C0), lambda i: (0, i, 0))
_x_spec = pl.BlockSpec((_R, C0), lambda i: (i, 0))
_full_spec = pl.BlockSpec((_R, H), lambda i: (i, 0))

_tc0_call = _tc_call(
    _tc_layer0,
    [_eps_spec, _x_spec, _half_spec, _half_spec, _w1_spec, _b_spec],
    _half_spec,
    jax.ShapeDtypeStruct((NC, N, C0), jnp.float32),
)

_tc1_call = _tc_call(
    _tc_layer1,
    [_eps_spec, _half_spec, _half_spec, _half_spec, _w2_spec, _b_spec],
    _half_spec,
    jax.ShapeDtypeStruct((NC, N, C0), jnp.float32),
)

_tc2_call = _tc_call(
    _tc_layer2,
    [_eps_spec, _half_spec, _half_spec, _half_spec, _w2_spec, _b_spec],
    _full_spec,
    jax.ShapeDtypeStruct((N, H), jnp.float32),
)


@jax.jit
def kernel(x, edge_index, edge_w, W1, b1, W2, b2, eps):
  src = edge_index[0]
  dst = edge_index[1]
  wbits = lax.bitcast_convert_type(edge_w, jnp.int32)
  packed = jnp.stack([src, src + N, dst, wbits], axis=1).reshape(4 * E)
  z128 = jnp.zeros((NP, C0), jnp.float32)
  b1r = b1.reshape(1, H)
  b2r = b2.reshape(1, H)

  agg0, dpart = _sc_layer0_call(x, packed, z128)
  h1 = _tc0_call(eps, x, agg0, dpart, W1, b1r)
  agg1 = _sc_layer_k_call(h1.reshape(NC * N, C0), packed, z128)
  h2 = _tc1_call(eps, h1, agg1, dpart, W2, b2r)
  agg2 = _sc_layer_k_call(h2.reshape(NC * N, C0), packed, z128)
  out = _tc2_call(eps, h2, agg2, dpart, W2, b2r)
  return out

# --- scband reference (transcript-rebuilt; emitter-appended) ---
"""Pipeline reference for scband-gin-86380382257638 (READ-ONLY COPY).

The authoritative reference and input builder live on the scoring server;
editing this copy changes nothing except your own understanding.
"""

import jax, jax.numpy as jnp
import numpy as np

N = 10000
E = 320000
IN_CH = 128
HID = 256


def setup_inputs(seed: int = 0) -> dict:
    key = jax.random.key(seed)
    ks = jax.random.split(key, 8)
    x = jax.random.normal(ks[0], (N, IN_CH), dtype=jnp.float32)
    edge_index = jax.random.randint(ks[1], (2, E), 0, N, dtype=jnp.int32)
    edge_w = jax.random.uniform(ks[2], (E,), dtype=jnp.float32)
    # lin1: in_channels -> hidden_channels (first GINConv apply_func)
    W1 = jax.random.normal(ks[3], (HID, IN_CH), dtype=jnp.float32) * 0.05
    b1 = jnp.zeros((HID,), dtype=jnp.float32)
    # lin2: hidden -> hidden, SHARED by all remaining GINConv layers (same nn.Linear module reused)
    W2 = jax.random.normal(ks[4], (HID, HID), dtype=jnp.float32) * 0.05
    b2 = jnp.zeros((HID,), dtype=jnp.float32)
    # learn_eps=True -> one learnable eps per GINConv, DGL init_eps default 0
    eps = jnp.zeros((3,), dtype=jnp.float32)
    return {"x": x, "edge_index": edge_index, "edge_w": edge_w,
            "W1": W1, "b1": b1, "W2": W2, "b2": b2, "eps": eps}


def _gin_conv(x, src, dst, w, eps, W, b):
    # DGL GINConv with edge_weight and aggregator_type='mean':
    #   m_e = x[src] * w_e ; neigh_i = mean over in-edges (divide by in-degree count)
    #   rst = (1 + eps) * x_i + neigh_i ; out = apply_func(rst)
    msg = jnp.take(x, src, axis=0) * w[:, None]
    agg = jax.ops.segment_sum(msg, dst, num_segments=N)
    deg = jax.ops.segment_sum(jnp.ones((dst.shape[0],), x.dtype), dst, num_segments=N)
    neigh = agg / jnp.clip(deg, 1.0)[:, None]
    rst = (1.0 + eps) * x + neigh
    return rst @ W.T + b


def reference(x, edge_index, edge_w, W1, b1, W2, b2, eps):
    src = edge_index[0]
    dst = edge_index[1]
    # layer 0 (lin1) + relu (+ dropout: identity in eval mode)
    h = _gin_conv(x, src, dst, edge_w, eps[0], W1, b1)
    h = jax.nn.relu(h)
    # layer 1 (shared lin2) + relu
    h = _gin_conv(h, src, dst, edge_w, eps[1], W2, b2)
    h = jax.nn.relu(h)
    # last layer (shared lin2), no activation
    h = _gin_conv(h, src, dst, edge_w, eps[2], W2, b2)
    # x[0] = zeros
    h = h.at[0].set(jnp.zeros((h.shape[1],), dtype=h.dtype))
    return h

if __name__ == "__main__":
    import jax
    _d = setup_inputs()
    print(jax.jit(kernel)(*tuple(_d.values())))

</pallas_src>

<mosaic_0001>
#map = affine_map<(d0, d1) -> (0, 0)>
#map1 = affine_map<(d0, d1) -> (0)>
#map2 = affine_map<(d0, d1) -> (0, 0, 0)>
module attributes {stable_mosaic.version = 14 : i64} {
  func.func @_sc_layer_k(%arg0: i32, %arg1: i32, %arg2: memref<20000x128xf32, #tpu.memory_space<hbm>>, %arg3: memref<1280000xi32, #tpu.memory_space<hbm>>, %arg4: memref<10240x128xf32, #tpu.memory_space<hbm>>, %arg5: memref<2x10240x128xf32, #tpu.memory_space<hbm>>, %arg6: memref<80xi32, #tpu.memory_space<vmem>>, %arg7: memref<80xi32, #tpu.memory_space<vmem>>, %arg8: memref<320xi32, #tpu.memory_space<vmem>>, %arg9: memref<80x128xf32, #tpu.memory_space<vmem>>, %arg10: memref<10240x128xf32, #tpu.memory_space<vmem_shared>>, %arg11: memref<!tpu.dma_semaphore, #tpu.memory_space<semaphore_mem>>) attributes {dimension_semantics = [#tpu.dimension_semantics<core_parallel>, #tpu.dimension_semantics<subcore_parallel>], iteration_bounds = array<i64: 2, 16>, scalar_prefetch = 0 : i64, scratch_operands = 6 : i64, tpu.core_type = #tpu.core_type<sc_vector_subcore>, window_params = [{transform_indices = #map}, {transform_indices = #map1}, {transform_indices = #map}, {transform_indices = #map2}]} {
    %mul3A = arith.constant 640 : i32
    %mul3A_0 = arith.muli %arg1, %mul3A : i32
    "tpu.region"() ({
      %run_scoped3A = tpu.sem_alloc : memref<!tpu.dma_semaphore, #tpu.memory_space<semaphore_mem>>
      %dma_start3A = arith.constant 0 : i32
      %dma_start3A_9 = tpu.memref_slice %arg10[%mul3A_0, %dma_start3A] : memref<10240x128xf32, #tpu.memory_space<vmem_shared>> -> memref<640x128xf32, #tpu.memory_space<vmem_shared>>
      %dma_start3A_10 = arith.constant 0 : i32
      %dma_start3A_11 = tpu.memref_slice %arg4[%mul3A_0, %dma_start3A_10] : memref<10240x128xf32, #tpu.memory_space<hbm>> -> memref<640x128xf32, #tpu.memory_space<hbm>>
      tpu.enqueue_dma source(%dma_start3A_11 : memref<640x128xf32, #tpu.memory_space<hbm>>) target(%dma_start3A_9 : memref<640x128xf32, #tpu.memory_space<vmem_shared>>) target_semaphore(%run_scoped3A : memref<!tpu.dma_semaphore, #tpu.memory_space<semaphore_mem>>)
      %dma_wait3A = arith.constant 0 : i32
      %dma_wait3A_12 = tpu.memref_slice %arg10[%mul3A_0, %dma_wait3A] : memref<10240x128xf32, #tpu.memory_space<vmem_shared>> -> memref<640x128xf32, #tpu.memory_space<vmem_shared>>
      %dma_wait3A_13 = arith.constant 0 : i32
      %dma_wait3A_14 = tpu.memref_slice %arg4[%mul3A_0, %dma_wait3A_13] : memref<10240x128xf32, #tpu.memory_space<hbm>> -> memref<640x128xf32, #tpu.memory_space<hbm>>
      tpu.wait_dma2 semaphore(%run_scoped3A : memref<!tpu.dma_semaphore, #tpu.memory_space<semaphore_mem>>) src(%dma_wait3A_14 : memref<640x128xf32, #tpu.memory_space<hbm>>) dst(%dma_wait3A_12 : memref<640x128xf32, #tpu.memory_space<vmem_shared>>)
      tpu.yield
    }) : () -> ()
    %barrier3A = arith.constant 0 : index
    tpu.barrier barrier_id(%barrier3A)
    %mul3A_1 = arith.constant 20000 : i32
    %mul3A_2 = arith.muli %arg1, %mul3A_1 : i32
    %scan3A = arith.constant 0 : i32
    %scan3A_3 = arith.constant 0 : i32
    %scan3A_4 = arith.constant 250 : i32
    %scan3A_5 = arith.addi %scan3A_3, %scan3A_4 : i32
    %scan3A_6 = arith.constant 1 : i32
    scf.for %scan3A_9 = %scan3A_3 to %scan3A_5 step %scan3A_6  : i32 {
      %mul3A_10 = arith.constant 80 : i32
      %mul3A_11 = arith.muli %scan3A_9, %mul3A_10 : i32
      %add3A = arith.addi %mul3A_2, %mul3A_11 : i32
      %mul3A_12 = arith.constant 4 : i32
      %mul3A_13 = arith.muli %mul3A_12, %add3A : i32
      "tpu.region"() ({
        %run_scoped3A = tpu.sem_alloc : memref<!tpu.dma_semaphore, #tpu.memory_space<semaphore_mem>>
        %dma_start3A_114 = tpu.memref_slice %arg3[%mul3A_13] : memref<1280000xi32, #tpu.memory_space<hbm>> -> memref<320xi32, #tpu.memory_space<hbm>>
        %dma_start3A_115 = tpu.memref_slice %arg3[%mul3A_13] : memref<1280000xi32, #tpu.memory_space<hbm>> -> memref<320xi32, #tpu.memory_space<hbm>>
        tpu.enqueue_dma source(%dma_start3A_115 : memref<320xi32, #tpu.memory_space<hbm>>) target(%arg8 : memref<320xi32, #tpu.memory_space<vmem>>) target_semaphore(%run_scoped3A : memref<!tpu.dma_semaphore, #tpu.memory_space<semaphore_mem>>)
        %dma_wait3A_116 = tpu.memref_slice %arg3[%mul3A_13] : memref<1280000xi32, #tpu.memory_space<hbm>> -> memref<320xi32, #tpu.memory_space<hbm>>
        %dma_wait3A_117 = tpu.memref_slice %arg3[%mul3A_13] : memref<1280000xi32, #tpu.memory_space<hbm>> -> memref<320xi32, #tpu.memory_space<hbm>>
        tpu.wait_dma2 semaphore(%run_scoped3A : memref<!tpu.dma_semaphore, #tpu.memory_space<semaphore_mem>>) src(%dma_wait3A_117 : memref<320xi32, #tpu.memory_space<hbm>>) dst(%arg8 : memref<320xi32, #tpu.memory_space<vmem>>)
        tpu.yield
      }) : () -> ()
      %iota3A = tpu.iota {dimensions = array<i32: 0>} : vector<16xi32>
      %mul3A_14 = arith.constant 4 : i32
      %mul3A_15 = vector.broadcast %mul3A_14 : i32 to vector<16xi32>
      %mul3A_16 = arith.muli %iota3A, %mul3A_15 : vector<16xi32>
      %add3A_17 = arith.constant 0 : i32
      %add3A_18 = vector.broadcast %add3A_17 : i32 to vector<16xi32>
      %add3A_19 = arith.addi %mul3A_16, %add3A_18 : vector<16xi32>
      %add3A_20 = vector.broadcast %arg0 : i32 to vector<16xi32>
      %add3A_21 = arith.addi %add3A_19, %add3A_20 : vector<16xi32>
      %gather3A = tpu.vector_load_idx %arg8[%add3A_21] : memref<320xi32, #tpu.memory_space<vmem>>[vector<16xi32>], vector<16xi32>,
      %swap3A = arith.constant 0 : index
      %swap3A_22 = tpu.vector_load %arg6[%swap3A] {strides = array<i32>} : memref<80xi32, #tpu.memory_space<vmem>>, vector<16xi32>,
      tpu.vector_store %arg6[%swap3A], %gather3A {strides = array<i32>} : memref<80xi32, #tpu.memory_space<vmem>>, vector<16xi32>,
      %add3A_23 = arith.constant 64 : i32
      %add3A_24 = vector.broadcast %add3A_23 : i32 to vector<16xi32>
      %add3A_25 = arith.addi %mul3A_16, %add3A_24 : vector<16xi32>
      %add3A_26 = vector.broadcast %arg0 : i32 to vector<16xi32>
      %add3A_27 = arith.addi %add3A_25, %add3A_26 : vector<16xi32>
      %gather3A_28 = tpu.vector_load_idx %arg8[%add3A_27] : memref<320xi32, #tpu.memory_space<vmem>>[vector<16xi32>], vector<16xi32>,
      %swap3A_29 = arith.constant 16 : index
      %swap3A_30 = tpu.vector_load %arg6[%swap3A_29] {strides = array<i32>} : memref<80xi32, #tpu.memory_space<vmem>>, vector<16xi32>,
      tpu.vector_store %arg6[%swap3A_29], %gather3A_28 {strides = array<i32>} : memref<80xi32, #tpu.memory_space<vmem>>, vector<16xi32>,
      %add3A_31 = arith.constant 128 : i32
      %add3A_32 = vector.broadcast %add3A_31 : i32 to vector<16xi32>
      %add3A_33 = arith.addi %mul3A_16, %add3A_32 : vector<16xi32>
      %add3A_34 = vector.broadcast %arg0 : i32 to vector<16xi32>
      %add3A_35 = arith.addi %add3A_33, %add3A_34 : vector<16xi32>
      %gather3A_36 = tpu.vector_load_idx %arg8[%add3A_35] : memref<320xi32, #tpu.memory_space<vmem>>[vector<16xi32>], vector<16xi32>,
      %swap3A_37 = arith.constant 32 : index
      %swap3A_38 = tpu.vector_load %arg6[%swap3A_37] {strides = array<i32>} : memref<80xi32, #tpu.memory_space<vmem>>, vector<16xi32>,
      tpu.vector_store %arg6[%swap3A_37], %gather3A_36 {strides = array<i32>} : memref<80xi32, #tpu.memory_space<vmem>>, vector<16xi32>,
      %add3A_39 = arith.constant 192 : i32
      %add3A_40 = vector.broadcast %add3A_39 : i32 to vector<16xi32>
      %add3A_41 = arith.addi %mul3A_16, %add3A_40 : vector<16xi32>
      %add3A_42 = vector.broadcast %arg0 : i32 to vector<16xi32>
      %add3A_43 = arith.addi %add3A_41, %add3A_42 : vector<16xi32>
      %gather3A_44 = tpu.vector_load_idx %arg8[%add3A_43] : memref<320xi32, #tpu.memory_space<vmem>>[vector<16xi32>], vector<16xi32>,
      %swap3A_45 = arith.constant 48 : index
      %swap3A_46 = tpu.vector_load %arg6[%swap3A_45] {strides = array<i32>} : memref<80xi32, #tpu.memory_space<vmem>>, vector<16xi32>,
      tpu.vector_store %arg6[%swap3A_45], %gather3A_44 {strides = array<i32>} : memref<80xi32, #tpu.memory_space<vmem>>, vector<16xi32>,
      %add3A_47 = arith.constant 256 : i32
      %add3A_48 = vector.broadcast %add3A_47 : i32 to vector<16xi32>
      %add3A_49 = arith.addi %mul3A_16, %add3A_48 : vector<16xi32>
      %add3A_50 = vector.broadcast %arg0 : i32 to vector<16xi32>
      %add3A_51 = arith.addi %add3A_49, %add3A_50 : vector<16xi32>
      %gather3A_52 = tpu.vector_load_idx %arg8[%add3A_51] : memref<320xi32, #tpu.memory_space<vmem>>[vector<16xi32>], vector<16xi32>,
      %swap3A_53 = arith.constant 64 : index
      %swap3A_54 = tpu.vector_load %arg6[%swap3A_53] {strides = array<i32>} : memref<80xi32, #tpu.memory_space<vmem>>, vector<16xi32>,
      tpu.vector_store %arg6[%swap3A_53], %gather3A_52 {strides = array<i32>} : memref<80xi32, #tpu.memory_space<vmem>>, vector<16xi32>,
      %iota3A_55 = tpu.iota {dimensions = array<i32: 0>} : vector<16xi32>
      %mul3A_56 = arith.constant 4 : i32
      %mul3A_57 = vector.broadcast %mul3A_56 : i32 to vector<16xi32>
      %mul3A_58 = arith.muli %iota3A_55, %mul3A_57 : vector<16xi32>
      %add3A_59 = arith.constant 0 : i32
      %add3A_60 = vector.broadcast %add3A_59 : i32 to vector<16xi32>
      %add3A_61 = arith.addi %mul3A_58, %add3A_60 : vector<16xi32>
      %add3A_62 = arith.constant 2 : i32
      %add3A_63 = vector.broadcast %add3A_62 : i32 to vector<16xi32>
      %add3A_64 = arith.addi %add3A_61, %add3A_63 : vector<16xi32>
      %gather3A_65 = tpu.vector_load_idx %arg8[%add3A_64] : memref<320xi32, #tpu.memory_space<vmem>>[vector<16xi32>], vector<16xi32>,
      %swap3A_66 = arith.constant 0 : index
      %swap3A_67 = tpu.vector_load %arg7[%swap3A_66] {strides = array<i32>} : memref<80xi32, #tpu.memory_space<vmem>>, vector<16xi32>,
      tpu.vector_store %arg7[%swap3A_66], %gather3A_65 {strides = array<i32>} : memref<80xi32, #tpu.memory_space<vmem>>, vector<16xi32>,
      %add3A_68 = arith.constant 64 : i32
      %add3A_69 = vector.broadcast %add3A_68 : i32 to vector<16xi32>
      %add3A_70 = arith.addi %mul3A_58, %add3A_69 : vector<16xi32>
      %add3A_71 = arith.constant 2 : i32
      %add3A_72 = vector.broadcast %add3A_71 : i32 to vector<16xi32>
      %add3A_73 = arith.addi %add3A_70, %add3A_72 : vector<16xi32>
      %gather3A_74 = tpu.vector_load_idx %arg8[%add3A_73] : memref<320xi32, #tpu.memory_space<vmem>>[vector<16xi32>], vector<16xi32>,
      %swap3A_75 = arith.constant 16 : index
      %swap3A_76 = tpu.vector_load %arg7[%swap3A_75] {strides = array<i32>} : memref<80xi32, #tpu.memory_space<vmem>>, vector<16xi32>,
      tpu.vector_store %arg7[%swap3A_75], %gather3A_74 {strides = array<i32>} : memref<80xi32, #tpu.memory_space<vmem>>, vector<16xi32>,
      %add3A_77 = arith.constant 128 : i32
      %add3A_78 = vector.broadcast %add3A_77 : i32 to vector<16xi32>
      %add3A_79 = arith.addi %mul3A_58, %add3A_78 : vector<16xi32>
      %add3A_80 = arith.constant 2 : i32
      %add3A_81 = vector.broadcast %add3A_80 : i32 to vector<16xi32>
      %add3A_82 = arith.addi %add3A_79, %add3A_81 : vector<16xi32>
      %gather3A_83 = tpu.vector_load_idx %arg8[%add3A_82] : memref<320xi32, #tpu.memory_space<vmem>>[vector<16xi32>], vector<16xi32>,
      %swap3A_84 = arith.constant 32 : index
      %swap3A_85 = tpu.vector_load %arg7[%swap3A_84] {strides = array<i32>} : memref<80xi32, #tpu.memory_space<vmem>>, vector<16xi32>,
      tpu.vector_store %arg7[%swap3A_84], %gather3A_83 {strides = array<i32>} : memref<80xi32, #tpu.memory_space<vmem>>, vector<16xi32>,
      %add3A_86 = arith.constant 192 : i32
      %add3A_87 = vector.broadcast %add3A_86 : i32 to vector<16xi32>
      %add3A_88 = arith.addi %mul3A_58, %add3A_87 : vector<16xi32>
      %add3A_89 = arith.constant 2 : i32
      %add3A_90 = vector.broadcast %add3A_89 : i32 to vector<16xi32>
      %add3A_91 = arith.addi %add3A_88, %add3A_90 : vector<16xi32>
      %gather3A_92 = tpu.vector_load_idx %arg8[%add3A_91] : memref<320xi32, #tpu.memory_space<vmem>>[vector<16xi32>], vector<16xi32>,
      %swap3A_93 = arith.constant 48 : index
      %swap3A_94 = tpu.vector_load %arg7[%swap3A_93] {strides = array<i32>} : memref<80xi32, #tpu.memory_space<vmem>>, vector<16xi32>,
      tpu.vector_store %arg7[%swap3A_93], %gather3A_92 {strides = array<i32>} : memref<80xi32, #tpu.memory_space<vmem>>, vector<16xi32>,
      %add3A_95 = arith.constant 256 : i32
      %add3A_96 = vector.broadcast %add3A_95 : i32 to vector<16xi32>
      %add3A_97 = arith.addi %mul3A_58, %add3A_96 : vector<16xi32>
      %add3A_98 = arith.constant 2 : i32
      %add3A_99 = vector.broadcast %add3A_98 : i32 to vector<16xi32>
      %add3A_100 = arith.addi %add3A_97, %add3A_99 : vector<16xi32>
      %gather3A_101 = tpu.vector_load_idx %arg8[%add3A_100] : memref<320xi32, #tpu.memory_space<vmem>>[vector<16xi32>], vector<16xi32>,
      %swap3A_102 = arith.constant 64 : index
      %swap3A_103 = tpu.vector_load %arg7[%swap3A_102] {strides = array<i32>} : memref<80xi32, #tpu.memory_space<vmem>>, vector<16xi32>,
      tpu.vector_store %arg7[%swap3A_102], %gather3A_101 {strides = array<i32>} : memref<80xi32, #tpu.memory_space<vmem>>, vector<16xi32>,
      %dma_start3A = arith.constant 0 : i32
      %dma_start3A_104 = arith.constant 0 : i32
      %dma_start3A_105 = tpu.memref_slice %arg2[%dma_start3A, %dma_start3A_104] : memref<20000x128xf32, #tpu.memory_space<hbm>> -> memref<20000x128xf32, #tpu.memory_space<hbm>>
      tpu.enqueue_indirect_dma source(%dma_start3A_105 : memref<20000x128xf32, #tpu.memory_space<hbm>>) target(%arg9 : memref<80x128xf32, #tpu.memory_space<vmem>>) offsets(%arg6 : memref<80xi32, #tpu.memory_space<vmem>>) semaphore(%arg11 : memref<!tpu.dma_semaphore, #tpu.memory_space<semaphore_mem>>)
      %dma_wait3A = arith.constant 0 : i32
      %dma_wait3A_106 = arith.constant 0 : i32
      %dma_wait3A_107 = tpu.memref_slice %arg2[%dma_wait3A, %dma_wait3A_106] : memref<20000x128xf32, #tpu.memory_space<hbm>> -> memref<20000x128xf32, #tpu.memory_space<hbm>>
      tpu.wait_indirect_dma semaphore(%arg11 : memref<!tpu.dma_semaphore, #tpu.memory_space<semaphore_mem>>) src(%dma_wait3A_107 : memref<20000x128xf32, #tpu.memory_space<hbm>>) dst(%arg9 : memref<80x128xf32, #tpu.memory_space<vmem>>)
      %scan3A_108 = arith.constant 0 : i32
      %scan3A_109 = arith.constant 0 : i32
      %scan3A_110 = arith.constant 80 : i32
      %scan3A_111 = arith.addi %scan3A_109, %scan3A_110 : i32
      %scan3A_112 = arith.constant 1 : i32
      scf.for %scan3A_114 = %scan3A_109 to %scan3A_111 step %scan3A_112  : i32 {
        %mul3A_115 = arith.constant 4 : i32
        %mul3A_116 = arith.muli %mul3A_115, %scan3A_114 : i32
        %add3A_117 = arith.constant 3 : i32
        %add3A_118 = arith.addi %mul3A_116, %add3A_117 : i32
        %broadcast_in_dim3A = vector.broadcast %add3A_118 : i32 to vector<16xi32>
        %gather3A_119 = tpu.vector_load_idx %arg8[%broadcast_in_dim3A] : memref<320xi32, #tpu.memory_space<vmem>>[vector<16xi32>], vector<16xi32>,
        %bitcast3A = vector.bitcast %gather3A_119 : vector<16xi32> to vector<16xf32>
        %get3A = arith.index_cast %scan3A_114 : i32 to index
        %get3A_120 = arith.constant 0 : index
        %get3A_121 = tpu.vector_load %arg9[%get3A, %get3A_120] {strides = array<i32>} : memref<80x128xf32, #tpu.memory_space<vmem>>, vector<16xf32>,
        %mul3A_122 = arith.mulf %get3A_121, %bitcast3A : vector<16xf32>
        %swap3A_123 = arith.index_cast %scan3A_114 : i32 to index
        %swap3A_124 = arith.constant 0 : index
        %swap3A_125 = tpu.vector_load %arg9[%swap3A_123, %swap3A_124] {strides = array<i32>} : memref<80x128xf32, #tpu.memory_space<vmem>>, vector<16xf32>,
        tpu.vector_store %arg9[%swap3A_123, %swap3A_124], %mul3A_122 {strides = array<i32>} : memref<80x128xf32, #tpu.memory_space<vmem>>, vector<16xf32>,
        %get3A_126 = arith.index_cast %scan3A_114 : i32 to index
        %get3A_127 = arith.constant 16 : index
        %get3A_128 = tpu.vector_load %arg9[%get3A_126, %get3A_127] {strides = array<i32>} : memref<80x128xf32, #tpu.memory_space<vmem>>, vector<16xf32>,
        %mul3A_129 = arith.mulf %get3A_128, %bitcast3A : vector<16xf32>
        %swap3A_130 = arith.index_cast %scan3A_114 : i32 to index
        %swap3A_131 = arith.constant 16 : index
        %swap3A_132 = tpu.vector_load %arg9[%swap3A_130, %swap3A_131] {strides = array<i32>} : memref<80x128xf32, #tpu.memory_space<vmem>>, vector<16xf32>,
        tpu.vector_store %arg9[%swap3A_130, %swap3A_131], %mul3A_129 {strides = array<i32>} : memref<80x128xf32, #tpu.memory_space<vmem>>, vector<16xf32>,
        %get3A_133 = arith.index_cast %scan3A_114 : i32 to index
        %get3A_134 = arith.constant 32 : index
        %get3A_135 = tpu.vector_load %arg9[%get3A_133, %get3A_134] {strides = array<i32>} : memref<80x128xf32, #tpu.memory_space<vmem>>, vector<16xf32>,
        %mul3A_136 = arith.mulf %get3A_135, %bitcast3A : vector<16xf32>
        %swap3A_137 = arith.index_cast %scan3A_114 : i32 to index
        %swap3A_138 = arith.constant 32 : index
        %swap3A_139 = tpu.vector_load %arg9[%swap3A_137, %swap3A_138] {strides = array<i32>} : memref<80x128xf32, #tpu.memory_space<vmem>>, vector<16xf32>,
        tpu.vector_store %arg9[%swap3A_137, %swap3A_138], %mul3A_136 {strides = array<i32>} : memref<80x128xf32, #tpu.memory_space<vmem>>, vector<16xf32>,
        %get3A_140 = arith.index_cast %scan3A_114 : i32 to index
        %get3A_141 = arith.constant 48 : index
        %get3A_142 = tpu.vector_load %arg9[%get3A_140, %get3A_141] {strides = array<i32>} : memref<80x128xf32, #tpu.memory_space<vmem>>, vector<16xf32>,
        %mul3A_143 = arith.mulf %get3A_142, %bitcast3A : vector<16xf32>
        %swap3A_144 = arith.index_cast %scan3A_114 : i32 to index
        %swap3A_145 = arith.constant 48 : index
        %swap3A_146 = tpu.vector_load %arg9[%swap3A_144, %swap3A_145] {strides = array<i32>} : memref<80x128xf32, #tpu.memory_space<vmem>>, vector<16xf32>,
        tpu.vector_store %arg9[%swap3A_144, %swap3A_145], %mul3A_143 {strides = array<i32>} : memref<80x128xf32, #tpu.memory_space<vmem>>, vector<16xf32>,
        %get3A_147 = arith.index_cast %scan3A_114 : i32 to index
        %get3A_148 = arith.constant 64 : index
        %get3A_149 = tpu.vector_load %arg9[%get3A_147, %get3A_148] {strides = array<i32>} : memref<80x128xf32, #tpu.memory_space<vmem>>, vector<16xf32>,
        %mul3A_150 = arith.mulf %get3A_149, %bitcast3A : vector<16xf32>
        %swap3A_151 = arith.index_cast %scan3A_114 : i32 to index
        %swap3A_152 = arith.constant 64 : index
        %swap3A_153 = tpu.vector_load %arg9[%swap3A_151, %swap3A_152] {strides = array<i32>} : memref<80x128xf32, #tpu.memory_space<vmem>>, vector<16xf32>,
        tpu.vector_store %arg9[%swap3A_151, %swap3A_152], %mul3A_150 {strides = array<i32>} : memref<80x128xf32, #tpu.memory_space<vmem>>, vector<16xf32>,
        %get3A_154 = arith.index_cast %scan3A_114 : i32 to index
        %get3A_155 = arith.constant 80 : index
        %get3A_156 = tpu.vector_load %arg9[%get3A_154, %get3A_155] {strides = array<i32>} : memref<80x128xf32, #tpu.memory_space<vmem>>, vector<16xf32>,
        %mul3A_157 = arith.mulf %get3A_156, %bitcast3A : vector<16xf32>
        %swap3A_158 = arith.index_cast %scan3A_114 : i32 to index
        %swap3A_159 = arith.constant 80 : index
        %swap3A_160 = tpu.vector_load %arg9[%swap3A_158, %swap3A_159] {strides = array<i32>} : memref<80x128xf32, #tpu.memory_space<vmem>>, vector<16xf32>,
        tpu.vector_store %arg9[%swap3A_158, %swap3A_159], %mul3A_157 {strides = array<i32>} : memref<80x128xf32, #tpu.memory_space<vmem>>, vector<16xf32>,
        %get3A_161 = arith.index_cast %scan3A_114 : i32 to index
        %get3A_162 = arith.constant 96 : index
        %get3A_163 = tpu.vector_load %arg9[%get3A_161, %get3A_162] {strides = array<i32>} : memref<80x128xf32, #tpu.memory_space<vmem>>, vector<16xf32>,
        %mul3A_164 = arith.mulf %get3A_163, %bitcast3A : vector<16xf32>
        %swap3A_165 = arith.index_cast %scan3A_114 : i32 to index
        %swap3A_166 = arith.constant 96 : index
        %swap3A_167 = tpu.vector_load %arg9[%swap3A_165, %swap3A_166] {strides = array<i32>} : memref<80x128xf32, #tpu.memory_space<vmem>>, vector<16xf32>,
        tpu.vector_store %arg9[%swap3A_165, %swap3A_166], %mul3A_164 {strides = array<i32>} : memref<80x128xf32, #tpu.memory_space<vmem>>, vector<16xf32>,
        %get3A_168 = arith.index_cast %scan3A_114 : i32 to index
        %get3A_169 = arith.constant 112 : index
        %get3A_170 = tpu.vector_load %arg9[%get3A_168, %get3A_169] {strides = array<i32>} : memref<80x128xf32, #tpu.memory_space<vmem>>, vector<16xf32>,
        %mul3A_171 = arith.mulf %get3A_170, %bitcast3A : vector<16xf32>
        %swap3A_172 = arith.index_cast %scan3A_114 : i32 to index
        %swap3A_173 = arith.constant 112 : index
        %swap3A_174 = tpu.vector_load %arg9[%swap3A_172, %swap3A_173] {strides = array<i32>} : memref<80x128xf32, #tpu.memory_space<vmem>>, vector<16xf32>,
        tpu.vector_store %arg9[%swap3A_172, %swap3A_173], %mul3A_171 {strides = array<i32>} : memref<80x128xf32, #tpu.memory_space<vmem>>, vector<16xf32>,
      }
      %scan3A_113 = arith.constant 80 : i32
      "tpu.region"() ({
        %run_scoped3A = tpu.sem_alloc : memref<!tpu.dma_semaphore, #tpu.memory_space<semaphore_mem>>
        %dma_start3A_114 = arith.constant 0 : i32
        %dma_start3A_115 = arith.constant 0 : i32
        %dma_start3A_116 = tpu.memref_slice %arg10[%dma_start3A_114, %dma_start3A_115] : memref<10240x128xf32, #tpu.memory_space<vmem_shared>> -> memref<10240x128xf32, #tpu.memory_space<vmem_shared>>
        tpu.enqueue_indirect_dma source(%arg9 : memref<80x128xf32, #tpu.memory_space<vmem>>) target(%dma_start3A_116 : memref<10240x128xf32, #tpu.memory_space<vmem_shared>>) offsets(%arg7 : memref<80xi32, #tpu.memory_space<vmem>>) semaphore(%run_scoped3A : memref<!tpu.dma_semaphore, #tpu.memory_space<semaphore_mem>>) {add = true}
        %dma_wait3A_117 = arith.constant 0 : i32
        %dma_wait3A_118 = arith.constant 0 : i32
        %dma_wait3A_119 = tpu.memref_slice %arg10[%dma_wait3A_117, %dma_wait3A_118] : memref<10240x128xf32, #tpu.memory_space<vmem_shared>> -> memref<10240x128xf32, #tpu.memory_space<vmem_shared>>
        tpu.wait_indirect_dma semaphore(%run_scoped3A : memref<!tpu.dma_semaphore, #tpu.memory_space<semaphore_mem>>) src(%arg9 : memref<80x128xf32, #tpu.memory_space<vmem>>) dst(%dma_wait3A_119 : memref<10240x128xf32, #tpu.memory_space<vmem_shared>>)
        tpu.yield
      }) : () -> ()
    }
    %scan3A_7 = arith.constant 250 : i32
    %barrier3A_8 = arith.constant 0 : index
    tpu.barrier barrier_id(%barrier3A_8)
    "tpu.region"() ({
      %run_scoped3A = tpu.sem_alloc : memref<!tpu.dma_semaphore, #tpu.memory_space<semaphore_mem>>
      %dma_start3A = arith.constant 0 : i32
      %dma_start3A_9 = tpu.memref_slice %arg5[%arg0, %mul3A_0, %dma_start3A] : memref<2x10240x128xf32, #tpu.memory_space<hbm>> -> memref<1x640x128xf32, #tpu.memory_space<hbm>>
      %dma_start3A_10 = tpu.memref_squeeze %dma_start3A_9 : memref<1x640x128xf32, #tpu.memory_space<hbm>> -> memref<640x128xf32, #tpu.memory_space<hbm>>
      %dma_start3A_11 = arith.constant 0 : i32
      %dma_start3A_12 = tpu.memref_slice %arg10[%mul3A_0, %dma_start3A_11] : memref<10240x128xf32, #tpu.memory_space<vmem_shared>> -> memref<640x128xf32, #tpu.memory_space<vmem_shared>>
      tpu.enqueue_dma source(%dma_start3A_12 : memref<640x128xf32, #tpu.memory_space<vmem_shared>>) target(%dma_start3A_10 : memref<640x128xf32, #tpu.memory_space<hbm>>) target_semaphore(%run_scoped3A : memref<!tpu.dma_semaphore, #tpu.memory_space<semaphore_mem>>)
      %dma_wait3A = arith.constant 0 : i32
      %dma_wait3A_13 = tpu.memref_slice %arg5[%arg0, %mul3A_0, %dma_wait3A] : memref<2x10240x128xf32, #tpu.memory_space<hbm>> -> memref<1x640x128xf32, #tpu.memory_space<hbm>>
      %dma_wait3A_14 = tpu.memref_squeeze %dma_wait3A_13 : memref<1x640x128xf32, #tpu.memory_space<hbm>> -> memref<640x128xf32, #tpu.memory_space<hbm>>
      %dma_wait3A_15 = arith.constant 0 : i32
      %dma_wait3A_16 = tpu.memref_slice %arg10[%mul3A_0, %dma_wait3A_15] : memref<10240x128xf32, #tpu.memory_space<vmem_shared>> -> memref<640x128xf32, #tpu.memory_space<vmem_shared>>
      tpu.wait_dma2 semaphore(%run_scoped3A : memref<!tpu.dma_semaphore, #tpu.memory_space<semaphore_mem>>) src(%dma_wait3A_16 : memref<640x128xf32, #tpu.memory_space<vmem_shared>>) dst(%dma_wait3A_14 : memref<640x128xf32, #tpu.memory_space<hbm>>)
      tpu.yield
    }) : () -> ()
    return
  }
}

#map = affine_map<(d0, d1) -> (0, 0)>
#map1 = affine_map<(d0, d1) -> (0)>
#map2 = affine_map<(d0, d1) -> (0, 0, 0)>
module attributes {stable_mosaic.version = 14 : i64} {
  func.func @_sc_layer0(%arg0: i32, %arg1: i32, %arg2: memref<10000x128xf32, #tpu.memory_space<hbm>>, %arg3: memref<1280000xi32, #tpu.memory_space<hbm>>, %arg4: memref<10240x128xf32, #tpu.memory_space<hbm>>, %arg5: memref<2x10240x128xf32, #tpu.memory_space<hbm>>, %arg6: memref<2x10240x128xf32, #tpu.memory_space<hbm>>, %arg7: memref<80xi32, #tpu.memory_space<vmem>>, %arg8: memref<80xi32, #tpu.memory_space<vmem>>, %arg9: memref<320xi32, #tpu.memory_space<vmem>>, %arg10: memref<80x128xf32, #tpu.memory_space<vmem>>, %arg11: memref<80x128xf32, #tpu.memory_space<vmem>>, %arg12: memref<10240x128xf32, #tpu.memory_space<vmem_shared>>, %arg13: memref<!tpu.dma_semaphore, #tpu.memory_space<semaphore_mem>>) attributes {dimension_semantics = [#tpu.dimension_semantics<core_parallel>, #tpu.dimension_semantics<subcore_parallel>], iteration_bounds = array<i64: 2, 16>, scalar_prefetch = 0 : i64, scratch_operands = 7 : i64, tpu.core_type = #tpu.core_type<sc_vector_subcore>, window_params = [{transform_indices = #map}, {transform_indices = #map1}, {transform_indices = #map}, {transform_indices = #map2}, {transform_indices = #map2}]} {
    %mul3A = arith.constant 640 : i32
    %mul3A_0 = arith.muli %arg1, %mul3A : i32
    "tpu.region"() ({
      %run_scoped3A = tpu.sem_alloc : memref<!tpu.dma_semaphore, #tpu.memory_space<semaphore_mem>>
      %dma_start3A = arith.constant 0 : i32
      %dma_start3A_26 = tpu.memref_slice %arg12[%mul3A_0, %dma_start3A] : memref<10240x128xf32, #tpu.memory_space<vmem_shared>> -> memref<640x128xf32, #tpu.memory_space<vmem_shared>>
      %dma_start3A_27 = arith.constant 0 : i32
      %dma_start3A_28 = tpu.memref_slice %arg4[%mul3A_0, %dma_start3A_27] : memref<10240x128xf32, #tpu.memory_space<hbm>> -> memref<640x128xf32, #tpu.memory_space<hbm>>
      tpu.enqueue_dma source(%dma_start3A_28 : memref<640x128xf32, #tpu.memory_space<hbm>>) target(%dma_start3A_26 : memref<640x128xf32, #tpu.memory_space<vmem_shared>>) target_semaphore(%run_scoped3A : memref<!tpu.dma_semaphore, #tpu.memory_space<semaphore_mem>>)
      %dma_wait3A = arith.constant 0 : i32
      %dma_wait3A_29 = tpu.memref_slice %arg12[%mul3A_0, %dma_wait3A] : memref<10240x128xf32, #tpu.memory_space<vmem_shared>> -> memref<640x128xf32, #tpu.memory_space<vmem_shared>>
      %dma_wait3A_30 = arith.constant 0 : i32
      %dma_wait3A_31 = tpu.memref_slice %arg4[%mul3A_0, %dma_wait3A_30] : memref<10240x128xf32, #tpu.memory_space<hbm>> -> memref<640x128xf32, #tpu.memory_space<hbm>>
      tpu.wait_dma2 semaphore(%run_scoped3A : memref<!tpu.dma_semaphore, #tpu.memory_space<semaphore_mem>>) src(%dma_wait3A_31 : memref<640x128xf32, #tpu.memory_space<hbm>>) dst(%dma_wait3A_29 : memref<640x128xf32, #tpu.memory_space<vmem_shared>>)
      tpu.yield
    }) : () -> ()
    %scan3A = arith.constant 0 : i32
    %scan3A_1 = arith.constant 0 : i32
    %scan3A_2 = arith.constant 80 : i32
    %scan3A_3 = arith.addi %scan3A_1, %scan3A_2 : i32
    %scan3A_4 = arith.constant 1 : i32
    scf.for %scan3A_26 = %scan3A_1 to %scan3A_3 step %scan3A_4  : i32 {
      %broadcast_in_dim3A = arith.constant 1.000000e+00 : f32
      %broadcast_in_dim3A_27 = vector.broadcast %broadcast_in_dim3A : f32 to vector<16xf32>
      %swap3A = arith.index_cast %scan3A_26 : i32 to index
      %swap3A_28 = arith.constant 0 : index
      %swap3A_29 = tpu.vector_load %arg11[%swap3A, %swap3A_28] {strides = array<i32>} : memref<80x128xf32, #tpu.memory_space<vmem>>, vector<16xf32>,
      tpu.vector_store %arg11[%swap3A, %swap3A_28], %broadcast_in_dim3A_27 {strides = array<i32>} : memref<80x128xf32, #tpu.memory_space<vmem>>, vector<16xf32>,
      %broadcast_in_dim3A_30 = arith.constant 1.000000e+00 : f32
      %broadcast_in_dim3A_31 = vector.broadcast %broadcast_in_dim3A_30 : f32 to vector<16xf32>
      %swap3A_32 = arith.index_cast %scan3A_26 : i32 to index
      %swap3A_33 = arith.constant 16 : index
      %swap3A_34 = tpu.vector_load %arg11[%swap3A_32, %swap3A_33] {strides = array<i32>} : memref<80x128xf32, #tpu.memory_space<vmem>>, vector<16xf32>,
      tpu.vector_store %arg11[%swap3A_32, %swap3A_33], %broadcast_in_dim3A_31 {strides = array<i32>} : memref<80x128xf32, #tpu.memory_space<vmem>>, vector<16xf32>,
      %broadcast_in_dim3A_35 = arith.constant 1.000000e+00 : f32
      %broadcast_in_dim3A_36 = vector.broadcast %broadcast_in_dim3A_35 : f32 to vector<16xf32>
      %swap3A_37 = arith.index_cast %scan3A_26 : i32 to index
      %swap3A_38 = arith.constant 32 : index
      %swap3A_39 = tpu.vector_load %arg11[%swap3A_37, %swap3A_38] {strides = array<i32>} : memref<80x128xf32, #tpu.memory_space<vmem>>, vector<16xf32>,
      tpu.vector_store %arg11[%swap3A_37, %swap3A_38], %broadcast_in_dim3A_36 {strides = array<i32>} : memref<80x128xf32, #tpu.memory_space<vmem>>, vector<16xf32>,
      %broadcast_in_dim3A_40 = arith.constant 1.000000e+00 : f32
      %broadcast_in_dim3A_41 = vector.broadcast %broadcast_in_dim3A_40 : f32 to vector<16xf32>
      %swap3A_42 = arith.index_cast %scan3A_26 : i32 to index
      %swap3A_43 = arith.constant 48 : index
      %swap3A_44 = tpu.vector_load %arg11[%swap3A_42, %swap3A_43] {strides = array<i32>} : memref<80x128xf32, #tpu.memory_space<vmem>>, vector<16xf32>,
      tpu.vector_store %arg11[%swap3A_42, %swap3A_43], %broadcast_in_dim3A_41 {strides = array<i32>} : memref<80x128xf32, #tpu.memory_space<vmem>>, vector<16xf32>,
      %broadcast_in_dim3A_45 = arith.constant 1.000000e+00 : f32
      %broadcast_in_dim3A_46 = vector.broadcast %broadcast_in_dim3A_45 : f32 to vector<16xf32>
      %swap3A_47 = arith.index_cast %scan3A_26 : i32 to index
      %swap3A_48 = arith.constant 64 : index
      %swap3A_49 = tpu.vector_load %arg11[%swap3A_47, %swap3A_48] {strides = array<i32>} : memref<80x128xf32, #tpu.memory_space<vmem>>, vector<16xf32>,
      tpu.vector_store %arg11[%swap3A_47, %swap3A_48], %broadcast_in_dim3A_46 {strides = array<i32>} : memref<80x128xf32, #tpu.memory_space<vmem>>, vector<16xf32>,
      %broadcast_in_dim3A_50 = arith.constant 1.000000e+00 : f32
      %broadcast_in_dim3A_51 = vector.broadcast %broadcast_in_dim3A_50 : f32 to vector<16xf32>
      %swap3A_52 = arith.index_cast %scan3A_26 : i32 to index
      %swap3A_53 = arith.constant 80 : index
      %swap3A_54 = tpu.vector_load %arg11[%swap3A_52, %swap3A_53] {strides = array<i32>} : memref<80x128xf32, #tpu.memory_space<vmem>>, vector<16xf32>,
      tpu.vector_store %arg11[%swap3A_52, %swap3A_53], %broadcast_in_dim3A_51 {strides = array<i32>} : memref<80x128xf32, #tpu.memory_space<vmem>>, vector<16xf32>,
      %broadcast_in_dim3A_55 = arith.constant 1.000000e+00 : f32
      %broadcast_in_dim3A_56 = vector.broadcast %broadcast_in_dim3A_55 : f32 to vector<16xf32>
      %swap3A_57 = arith.index_cast %scan3A_26 : i32 to index
      %swap3A_58 = arith.constant 96 : index
      %swap3A_59 = tpu.vector_load %arg11[%swap3A_57, %swap3A_58] {strides = array<i32>} : memref<80x128xf32, #tpu.memory_space<vmem>>, vector<16xf32>,
      tpu.vector_store %arg11[%swap3A_57, %swap3A_58], %broadcast_in_dim3A_56 {strides = array<i32>} : memref<80x128xf32, #tpu.memory_space<vmem>>, vector<16xf32>,
      %broadcast_in_dim3A_60 = arith.constant 1.000000e+00 : f32
      %broadcast_in_dim3A_61 = vector.broadcast %broadcast_in_dim3A_60 : f32 to vector<16xf32>
      %swap3A_62 = arith.index_cast %scan3A_26 : i32 to index
      %swap3A_63 = arith.constant 112 : index
      %swap3A_64 = tpu.vector_load %arg11[%swap3A_62, %swap3A_63] {strides = array<i32>} : memref<80x128xf32, #tpu.memory_space<vmem>>, vector<16xf32>,
      tpu.vector_store %arg11[%swap3A_62, %swap3A_63], %broadcast_in_dim3A_61 {strides = array<i32>} : memref<80x128xf32, #tpu.memory_space<vmem>>, vector<16xf32>,
    }
    %scan3A_5 = arith.constant 80 : i32
    %barrier3A = arith.constant 0 : index
    tpu.barrier barrier_id(%barrier3A)
    %mul3A_6 = arith.constant 2 : i32
    %mul3A_7 = arith.muli %arg1, %mul3A_6 : i32
    %add3A = arith.addi %mul3A_7, %arg0 : i32
    %mul3A_8 = arith.constant 10000 : i32
    %mul3A_9 = arith.muli %add3A, %mul3A_8 : i32
    %scan3A_10 = arith.constant 0 : i32
    %scan3A_11 = arith.constant 0 : i32
    %scan3A_12 = arith.constant 125 : i32
    %scan3A_13 = arith.addi %scan3A_11, %scan3A_12 : i32
    %scan3A_14 = arith.constant 1 : i32
    scf.for %scan3A_26 = %scan3A_11 to %scan3A_13 step %scan3A_14  : i32 {
      %mul3A_27 = arith.constant 80 : i32
      %mul3A_28 = arith.muli %scan3A_26, %mul3A_27 : i32
      %add3A_29 = arith.addi %mul3A_9, %mul3A_28 : i32
      %mul3A_30 = arith.constant 4 : i32
      %mul3A_31 = arith.muli %mul3A_30, %add3A_29 : i32
      "tpu.region"() ({
        %run_scoped3A = tpu.sem_alloc : memref<!tpu.dma_semaphore, #tpu.memory_space<semaphore_mem>>
        %dma_start3A_137 = tpu.memref_slice %arg3[%mul3A_31] : memref<1280000xi32, #tpu.memory_space<hbm>> -> memref<320xi32, #tpu.memory_space<hbm>>
        %dma_start3A_138 = tpu.memref_slice %arg3[%mul3A_31] : memref<1280000xi32, #tpu.memory_space<hbm>> -> memref<320xi32, #tpu.memory_space<hbm>>
        tpu.enqueue_dma source(%dma_start3A_138 : memref<320xi32, #tpu.memory_space<hbm>>) target(%arg9 : memref<320xi32, #tpu.memory_space<vmem>>) target_semaphore(%run_scoped3A : memref<!tpu.dma_semaphore, #tpu.memory_space<semaphore_mem>>)
        %dma_wait3A_139 = tpu.memref_slice %arg3[%mul3A_31] : memref<1280000xi32, #tpu.memory_space<hbm>> -> memref<320xi32, #tpu.memory_space<hbm>>
        %dma_wait3A_140 = tpu.memref_slice %arg3[%mul3A_31] : memref<1280000xi32, #tpu.memory_space<hbm>> -> memref<320xi32, #tpu.memory_space<hbm>>
        tpu.wait_dma2 semaphore(%run_scoped3A : memref<!tpu.dma_semaphore, #tpu.memory_space<semaphore_mem>>) src(%dma_wait3A_140 : memref<320xi32, #tpu.memory_space<hbm>>) dst(%arg9 : memref<320xi32, #tpu.memory_space<vmem>>)
        tpu.yield
      }) : () -> ()
      %iota3A = tpu.iota {dimensions = array<i32: 0>} : vector<16xi32>
      %mul3A_32 = arith.constant 4 : i32
      %mul3A_33 = vector.broadcast %mul3A_32 : i32 to vector<16xi32>
      %mul3A_34 = arith.muli %iota3A, %mul3A_33 : vector<16xi32>
      %add3A_35 = arith.constant 0 : i32
      %add3A_36 = vector.broadcast %add3A_35 : i32 to vector<16xi32>
      %add3A_37 = arith.addi %mul3A_34, %add3A_36 : vector<16xi32>
      %add3A_38 = arith.constant 0 : i32
      %add3A_39 = vector.broadcast %add3A_38 : i32 to vector<16xi32>
      %add3A_40 = arith.addi %add3A_37, %add3A_39 : vector<16xi32>
      %gather3A = tpu.vector_load_idx %arg9[%add3A_40] : memref<320xi32, #tpu.memory_space<vmem>>[vector<16xi32>], vector<16xi32>,
      %swap3A = arith.constant 0 : index
      %swap3A_41 = tpu.vector_load %arg7[%swap3A] {strides = array<i32>} : memref<80xi32, #tpu.memory_space<vmem>>, vector<16xi32>,
      tpu.vector_store %arg7[%swap3A], %gather3A {strides = array<i32>} : memref<80xi32, #tpu.memory_space<vmem>>, vector<16xi32>,
      %add3A_42 = arith.constant 64 : i32
      %add3A_43 = vector.broadcast %add3A_42 : i32 to vector<16xi32>
      %add3A_44 = arith.addi %mul3A_34, %add3A_43 : vector<16xi32>
      %add3A_45 = arith.constant 0 : i32
      %add3A_46 = vector.broadcast %add3A_45 : i32 to vector<16xi32>
      %add3A_47 = arith.addi %add3A_44, %add3A_46 : vector<16xi32>
      %gather3A_48 = tpu.vector_load_idx %arg9[%add3A_47] : memref<320xi32, #tpu.memory_space<vmem>>[vector<16xi32>], vector<16xi32>,
      %swap3A_49 = arith.constant 16 : index
      %swap3A_50 = tpu.vector_load %arg7[%swap3A_49] {strides = array<i32>} : memref<80xi32, #tpu.memory_space<vmem>>, vector<16xi32>,
      tpu.vector_store %arg7[%swap3A_49], %gather3A_48 {strides = array<i32>} : memref<80xi32, #tpu.memory_space<vmem>>, vector<16xi32>,
      %add3A_51 = arith.constant 128 : i32
      %add3A_52 = vector.broadcast %add3A_51 : i32 to vector<16xi32>
      %add3A_53 = arith.addi %mul3A_34, %add3A_52 : vector<16xi32>
      %add3A_54 = arith.constant 0 : i32
      %add3A_55 = vector.broadcast %add3A_54 : i32 to vector<16xi32>
      %add3A_56 = arith.addi %add3A_53, %add3A_55 : vector<16xi32>
      %gather3A_57 = tpu.vector_load_idx %arg9[%add3A_56] : memref<320xi32, #tpu.memory_space<vmem>>[vector<16xi32>], vector<16xi32>,
      %swap3A_58 = arith.constant 32 : index
      %swap3A_59 = tpu.vector_load %arg7[%swap3A_58] {strides = array<i32>} : memref<80xi32, #tpu.memory_space<vmem>>, vector<16xi32>,
      tpu.vector_store %arg7[%swap3A_58], %gather3A_57 {strides = array<i32>} : memref<80xi32, #tpu.memory_space<vmem>>, vector<16xi32>,
      %add3A_60 = arith.constant 192 : i32
      %add3A_61 = vector.broadcast %add3A_60 : i32 to vector<16xi32>
      %add3A_62 = arith.addi %mul3A_34, %add3A_61 : vector<16xi32>
      %add3A_63 = arith.constant 0 : i32
      %add3A_64 = vector.broadcast %add3A_63 : i32 to vector<16xi32>
      %add3A_65 = arith.addi %add3A_62, %add3A_64 : vector<16xi32>
      %gather3A_66 = tpu.vector_load_idx %arg9[%add3A_65] : memref<320xi32, #tpu.memory_space<vmem>>[vector<16xi32>], vector<16xi32>,
      %swap3A_67 = arith.constant 48 : index
      %swap3A_68 = tpu.vector_load %arg7[%swap3A_67] {strides = array<i32>} : memref<80xi32, #tpu.memory_space<vmem>>, vector<16xi32>,
      tpu.vector_store %arg7[%swap3A_67], %gather3A_66 {strides = array<i32>} : memref<80xi32, #tpu.memory_space<vmem>>, vector<16xi32>,
      %add3A_69 = arith.constant 256 : i32
      %add3A_70 = vector.broadcast %add3A_69 : i32 to vector<16xi32>
      %add3A_71 = arith.addi %mul3A_34, %add3A_70 : vector<16xi32>
      %add3A_72 = arith.constant 0 : i32
      %add3A_73 = vector.broadcast %add3A_72 : i32 to vector<16xi32>
      %add3A_74 = arith.addi %add3A_71, %add3A_73 : vector<16xi32>
      %gather3A_75 = tpu.vector_load_idx %arg9[%add3A_74] : memref<320xi32, #tpu.memory_space<vmem>>[vector<16xi32>], vector<16xi32>,
      %swap3A_76 = arith.constant 64 : index
      %swap3A_77 = tpu.vector_load %arg7[%swap3A_76] {strides = array<i32>} : memref<80xi32, #tpu.memory_space<vmem>>, vector<16xi32>,
      tpu.vector_store %arg7[%swap3A_76], %gather3A_75 {strides = array<i32>} : memref<80xi32, #tpu.memory_space<vmem>>, vector<16xi32>,
      %iota3A_78 = tpu.iota {dimensions = array<i32: 0>} : vector<16xi32>
      %mul3A_79 = arith.constant 4 : i32
      %mul3A_80 = vector.broadcast %mul3A_79 : i32 to vector<16xi32>
      %mul3A_81 = arith.muli %iota3A_78, %mul3A_80 : vector<16xi32>
      %add3A_82 = arith.constant 0 : i32
      %add3A_83 = vector.broadcast %add3A_82 : i32 to vector<16xi32>
      %add3A_84 = arith.addi %mul3A_81, %add3A_83 : vector<16xi32>
      %add3A_85 = arith.constant 2 : i32
      %add3A_86 = vector.broadcast %add3A_85 : i32 to vector<16xi32>
      %add3A_87 = arith.addi %add3A_84, %add3A_86 : vector<16xi32>
      %gather3A_88 = tpu.vector_load_idx %arg9[%add3A_87] : memref<320xi32, #tpu.memory_space<vmem>>[vector<16xi32>], vector<16xi32>,
      %swap3A_89 = arith.constant 0 : index
      %swap3A_90 = tpu.vector_load %arg8[%swap3A_89] {strides = array<i32>} : memref<80xi32, #tpu.memory_space<vmem>>, vector<16xi32>,
      tpu.vector_store %arg8[%swap3A_89], %gather3A_88 {strides = array<i32>} : memref<80xi32, #tpu.memory_space<vmem>>, vector<16xi32>,
      %add3A_91 = arith.constant 64 : i32
      %add3A_92 = vector.broadcast %add3A_91 : i32 to vector<16xi32>
      %add3A_93 = arith.addi %mul3A_81, %add3A_92 : vector<16xi32>
      %add3A_94 = arith.constant 2 : i32
      %add3A_95 = vector.broadcast %add3A_94 : i32 to vector<16xi32>
      %add3A_96 = arith.addi %add3A_93, %add3A_95 : vector<16xi32>
      %gather3A_97 = tpu.vector_load_idx %arg9[%add3A_96] : memref<320xi32, #tpu.memory_space<vmem>>[vector<16xi32>], vector<16xi32>,
      %swap3A_98 = arith.constant 16 : index
      %swap3A_99 = tpu.vector_load %arg8[%swap3A_98] {strides = array<i32>} : memref<80xi32, #tpu.memory_space<vmem>>, vector<16xi32>,
      tpu.vector_store %arg8[%swap3A_98], %gather3A_97 {strides = array<i32>} : memref<80xi32, #tpu.memory_space<vmem>>, vector<16xi32>,
      %add3A_100 = arith.constant 128 : i32
      %add3A_101 = vector.broadcast %add3A_100 : i32 to vector<16xi32>
      %add3A_102 = arith.addi %mul3A_81, %add3A_101 : vector<16xi32>
      %add3A_103 = arith.constant 2 : i32
      %add3A_104 = vector.broadcast %add3A_103 : i32 to vector<16xi32>
      %add3A_105 = arith.addi %add3A_102, %add3A_104 : vector<16xi32>
      %gather3A_106 = tpu.vector_load_idx %arg9[%add3A_105] : memref<320xi32, #tpu.memory_space<vmem>>[vector<16xi32>], vector<16xi32>,
      %swap3A_107 = arith.constant 32 : index
      %swap3A_108 = tpu.vector_load %arg8[%swap3A_107] {strides = array<i32>} : memref<80xi32, #tpu.memory_space<vmem>>, vector<16xi32>,
      tpu.vector_store %arg8[%swap3A_107], %gather3A_106 {strides = array<i32>} : memref<80xi32, #tpu.memory_space<vmem>>, vector<16xi32>,
      %add3A_109 = arith.constant 192 : i32
      %add3A_110 = vector.broadcast %add3A_109 : i32 to vector<16xi32>
      %add3A_111 = arith.addi %mul3A_81, %add3A_110 : vector<16xi32>
      %add3A_112 = arith.constant 2 : i32
      %add3A_113 = vector.broadcast %add3A_112 : i32 to vector<16xi32>
      %add3A_114 = arith.addi %add3A_111, %add3A_113 : vector<16xi32>
      %gather3A_115 = tpu.vector_load_idx %arg9[%add3A_114] : memref<320xi32, #tpu.memory_space<vmem>>[vector<16xi32>], vector<16xi32>,
      %swap3A_116 = arith.constant 48 : index
      %swap3A_117 = tpu.vector_load %arg8[%swap3A_116] {strides = array<i32>} : memref<80xi32, #tpu.memory_space<vmem>>, vector<16xi32>,
      tpu.vector_store %arg8[%swap3A_116], %gather3A_115 {strides = array<i32>} : memref<80xi32, #tpu.memory_space<vmem>>, vector<16xi32>,
      %add3A_118 = arith.constant 256 : i32
      %add3A_119 = vector.broadcast %add3A_118 : i32 to vector<16xi32>
      %add3A_120 = arith.addi %mul3A_81, %add3A_119 : vector<16xi32>
      %add3A_121 = arith.constant 2 : i32
      %add3A_122 = vector.broadcast %add3A_121 : i32 to vector<16xi32>
      %add3A_123 = arith.addi %add3A_120, %add3A_122 : vector<16xi32>
      %gather3A_124 = tpu.vector_load_idx %arg9[%add3A_123] : memref<320xi32, #tpu.memory_space<vmem>>[vector<16xi32>], vector<16xi32>,
      %swap3A_125 = arith.constant 64 : index
      %swap3A_126 = tpu.vector_load %arg8[%swap3A_125] {strides = array<i32>} : memref<80xi32, #tpu.memory_space<vmem>>, vector<16xi32>,
      tpu.vector_store %arg8[%swap3A_125], %gather3A_124 {strides = array<i32>} : memref<80xi32, #tpu.memory_space<vmem>>, vector<16xi32>,
      %dma_start3A = arith.constant 0 : i32
      %dma_start3A_127 = arith.constant 0 : i32
      %dma_start3A_128 = tpu.memref_slice %arg2[%dma_start3A, %dma_start3A_127] : memref<10000x128xf32, #tpu.memory_space<hbm>> -> memref<10000x128xf32, #tpu.memory_space<hbm>>
      tpu.enqueue_indirect_dma source(%dma_start3A_128 : memref<10000x128xf32, #tpu.memory_space<hbm>>) target(%arg10 : memref<80x128xf32, #tpu.memory_space<vmem>>) offsets(%arg7 : memref<80xi32, #tpu.memory_space<vmem>>) semaphore(%arg13 : memref<!tpu.dma_semaphore, #tpu.memory_space<semaphore_mem>>)
      %dma_wait3A = arith.constant 0 : i32
      %dma_wait3A_129 = arith.constant 0 : i32
      %dma_wait3A_130 = tpu.memref_slice %arg2[%dma_wait3A, %dma_wait3A_129] : memref<10000x128xf32, #tpu.memory_space<hbm>> -> memref<10000x128xf32, #tpu.memory_space<hbm>>
      tpu.wait_indirect_dma semaphore(%arg13 : memref<!tpu.dma_semaphore, #tpu.memory_space<semaphore_mem>>) src(%dma_wait3A_130 : memref<10000x128xf32, #tpu.memory_space<hbm>>) dst(%arg10 : memref<80x128xf32, #tpu.memory_space<vmem>>)
      %scan3A_131 = arith.constant 0 : i32
      %scan3A_132 = arith.constant 0 : i32
      %scan3A_133 = arith.constant 80 : i32
      %scan3A_134 = arith.addi %scan3A_132, %scan3A_133 : i32
      %scan3A_135 = arith.constant 1 : i32
      scf.for %scan3A_137 = %scan3A_132 to %scan3A_134 step %scan3A_135  : i32 {
        %mul3A_138 = arith.constant 4 : i32
        %mul3A_139 = arith.muli %mul3A_138, %scan3A_137 : i32
        %add3A_140 = arith.constant 3 : i32
        %add3A_141 = arith.addi %mul3A_139, %add3A_140 : i32
        %broadcast_in_dim3A = vector.broadcast %add3A_141 : i32 to vector<16xi32>
        %gather3A_142 = tpu.vector_load_idx %arg9[%broadcast_in_dim3A] : memref<320xi32, #tpu.memory_space<vmem>>[vector<16xi32>], vector<16xi32>,
        %bitcast3A = vector.bitcast %gather3A_142 : vector<16xi32> to vector<16xf32>
        %get3A = arith.index_cast %scan3A_137 : i32 to index
        %get3A_143 = arith.constant 0 : index
        %get3A_144 = tpu.vector_load %arg10[%get3A, %get3A_143] {strides = array<i32>} : memref<80x128xf32, #tpu.memory_space<vmem>>, vector<16xf32>,
        %mul3A_145 = arith.mulf %get3A_144, %bitcast3A : vector<16xf32>
        %swap3A_146 = arith.index_cast %scan3A_137 : i32 to index
        %swap3A_147 = arith.constant 0 : index
        %swap3A_148 = tpu.vector_load %arg10[%swap3A_146, %swap3A_147] {strides = array<i32>} : memref<80x128xf32, #tpu.memory_space<vmem>>, vector<16xf32>,
        tpu.vector_store %arg10[%swap3A_146, %swap3A_147], %mul3A_145 {strides = array<i32>} : memref<80x128xf32, #tpu.memory_space<vmem>>, vector<16xf32>,
        %get3A_149 = arith.index_cast %scan3A_137 : i32 to index
        %get3A_150 = arith.constant 16 : index
        %get3A_151 = tpu.vector_load %arg10[%get3A_149, %get3A_150] {strides = array<i32>} : memref<80x128xf32, #tpu.memory_space<vmem>>, vector<16xf32>,
        %mul3A_152 = arith.mulf %get3A_151, %bitcast3A : vector<16xf32>
        %swap3A_153 = arith.index_cast %scan3A_137 : i32 to index
        %swap3A_154 = arith.constant 16 : index
        %swap3A_155 = tpu.vector_load %arg10[%swap3A_153, %swap3A_154] {strides = array<i32>} : memref<80x128xf32, #tpu.memory_space<vmem>>, vector<16xf32>,
        tpu.vector_store %arg10[%swap3A_153, %swap3A_154], %mul3A_152 {strides = array<i32>} : memref<80x128xf32, #tpu.memory_space<vmem>>, vector<16xf32>,
        %get3A_156 = arith.index_cast %scan3A_137 : i32 to index
        %get3A_157 = arith.constant 32 : index
        %get3A_158 = tpu.vector_load %arg10[%get3A_156, %get3A_157] {strides = array<i32>} : memref<80x128xf32, #tpu.memory_space<vmem>>, vector<16xf32>,
        %mul3A_159 = arith.mulf %get3A_158, %bitcast3A : vector<16xf32>
        %swap3A_160 = arith.index_cast %scan3A_137 : i32 to index
        %swap3A_161 = arith.constant 32 : index
        %swap3A_162 = tpu.vector_load %arg10[%swap3A_160, %swap3A_161] {strides = array<i32>} : memref<80x128xf32, #tpu.memory_space<vmem>>, vector<16xf32>,
        tpu.vector_store %arg10[%swap3A_160, %swap3A_161], %mul3A_159 {strides = array<i32>} : memref<80x128xf32, #tpu.memory_space<vmem>>, vector<16xf32>,
        %get3A_163 = arith.index_cast %scan3A_137 : i32 to index
        %get3A_164 = arith.constant 48 : index
        %get3A_165 = tpu.vector_load %arg10[%get3A_163, %get3A_164] {strides = array<i32>} : memref<80x128xf32, #tpu.memory_space<vmem>>, vector<16xf32>,
        %mul3A_166 = arith.mulf %get3A_165, %bitcast3A : vector<16xf32>
        %swap3A_167 = arith.index_cast %scan3A_137 : i32 to index
        %swap3A_168 = arith.constant 48 : index
        %swap3A_169 = tpu.vector_load %arg10[%swap3A_167, %swap3A_168] {strides = array<i32>} : memref<80x128xf32, #tpu.memory_space<vmem>>, vector<16xf32>,
        tpu.vector_store %arg10[%swap3A_167, %swap3A_168], %mul3A_166 {strides = array<i32>} : memref<80x128xf32, #tpu.memory_space<vmem>>, vector<16xf32>,
        %get3A_170 = arith.index_cast %scan3A_137 : i32 to index
        %get3A_171 = arith.constant 64 : index
        %get3A_172 = tpu.vector_load %arg10[%get3A_170, %get3A_171] {strides = array<i32>} : memref<80x128xf32, #tpu.memory_space<vmem>>, vector<16xf32>,
        %mul3A_173 = arith.mulf %get3A_172, %bitcast3A : vector<16xf32>
        %swap3A_174 = arith.index_cast %scan3A_137 : i32 to index
        %swap3A_175 = arith.constant 64 : index
        %swap3A_176 = tpu.vector_load %arg10[%swap3A_174, %swap3A_175] {strides = array<i32>} : memref<80x128xf32, #tpu.memory_space<vmem>>, vector<16xf32>,
        tpu.vector_store %arg10[%swap3A_174, %swap3A_175], %mul3A_173 {strides = array<i32>} : memref<80x128xf32, #tpu.memory_space<vmem>>, vector<16xf32>,
        %get3A_177 = arith.index_cast %scan3A_137 : i32 to index
        %get3A_178 = arith.constant 80 : index
        %get3A_179 = tpu.vector_load %arg10[%get3A_177, %get3A_178] {strides = array<i32>} : memref<80x128xf32, #tpu.memory_space<vmem>>, vector<16xf32>,
        %mul3A_180 = arith.mulf %get3A_179, %bitcast3A : vector<16xf32>
        %swap3A_181 = arith.index_cast %scan3A_137 : i32 to index
        %swap3A_182 = arith.constant 80 : index
        %swap3A_183 = tpu.vector_load %arg10[%swap3A_181, %swap3A_182] {strides = array<i32>} : memref<80x128xf32, #tpu.memory_space<vmem>>, vector<16xf32>,
        tpu.vector_store %arg10[%swap3A_181, %swap3A_182], %mul3A_180 {strides = array<i32>} : memref<80x128xf32, #tpu.memory_space<vmem>>, vector<16xf32>,
        %get3A_184 = arith.index_cast %scan3A_137 : i32 to index
        %get3A_185 = arith.constant 96 : index
        %get3A_186 = tpu.vector_load %arg10[%get3A_184, %get3A_185] {strides = array<i32>} : memref<80x128xf32, #tpu.memory_space<vmem>>, vector<16xf32>,
        %mul3A_187 = arith.mulf %get3A_186, %bitcast3A : vector<16xf32>
        %swap3A_188 = arith.index_cast %scan3A_137 : i32 to index
        %swap3A_189 = arith.constant 96 : index
        %swap3A_190 = tpu.vector_load %arg10[%swap3A_188, %swap3A_189] {strides = array<i32>} : memref<80x128xf32, #tpu.memory_space<vmem>>, vector<16xf32>,
        tpu.vector_store %arg10[%swap3A_188, %swap3A_189], %mul3A_187 {strides = array<i32>} : memref<80x128xf32, #tpu.memory_space<vmem>>, vector<16xf32>,
        %get3A_191 = arith.index_cast %scan3A_137 : i32 to index
        %get3A_192 = arith.constant 112 : index
        %get3A_193 = tpu.vector_load %arg10[%get3A_191, %get3A_192] {strides = array<i32>} : memref<80x128xf32, #tpu.memory_space<vmem>>, vector<16xf32>,
        %mul3A_194 = arith.mulf %get3A_193, %bitcast3A : vector<16xf32>
        %swap3A_195 = arith.index_cast %scan3A_137 : i32 to index
        %swap3A_196 = arith.constant 112 : index
        %swap3A_197 = tpu.vector_load %arg10[%swap3A_195, %swap3A_196] {strides = array<i32>} : memref<80x128xf32, #tpu.memory_space<vmem>>, vector<16xf32>,
        tpu.vector_store %arg10[%swap3A_195, %swap3A_196], %mul3A_194 {strides = array<i32>} : memref<80x128xf32, #tpu.memory_space<vmem>>, vector<16xf32>,
      }
      %scan3A_136 = arith.constant 80 : i32
      "tpu.region"() ({
        %run_scoped3A = tpu.sem_alloc : memref<!tpu.dma_semaphore, #tpu.memory_space<semaphore_mem>>
        %dma_start3A_137 = arith.constant 0 : i32
        %dma_start3A_138 = arith.constant 0 : i32
        %dma_start3A_139 = tpu.memref_slice %arg12[%dma_start3A_137, %dma_start3A_138] : memref<10240x128xf32, #tpu.memory_space<vmem_shared>> -> memref<10240x128xf32, #tpu.memory_space<vmem_shared>>
        tpu.enqueue_indirect_dma source(%arg10 : memref<80x128xf32, #tpu.memory_space<vmem>>) target(%dma_start3A_139 : memref<10240x128xf32, #tpu.memory_space<vmem_shared>>) offsets(%arg8 : memref<80xi32, #tpu.memory_space<vmem>>) semaphore(%run_scoped3A : memref<!tpu.dma_semaphore, #tpu.memory_space<semaphore_mem>>) {add = true}
        %dma_wait3A_140 = arith.constant 0 : i32
        %dma_wait3A_141 = arith.constant 0 : i32
        %dma_wait3A_142 = tpu.memref_slice %arg12[%dma_wait3A_140, %dma_wait3A_141] : memref<10240x128xf32, #tpu.memory_space<vmem_shared>> -> memref<10240x128xf32, #tpu.memory_space<vmem_shared>>
        tpu.wait_indirect_dma semaphore(%run_scoped3A : memref<!tpu.dma_semaphore, #tpu.memory_space<semaphore_mem>>) src(%arg10 : memref<80x128xf32, #tpu.memory_space<vmem>>) dst(%dma_wait3A_142 : memref<10240x128xf32, #tpu.memory_space<vmem_shared>>)
        tpu.yield
      }) : () -> ()
    }
    %scan3A_15 = arith.constant 125 : i32
    %barrier3A_16 = arith.constant 0 : index
    tpu.barrier barrier_id(%barrier3A_16)
    "tpu.region"() ({
      %run_scoped3A = tpu.sem_alloc : memref<!tpu.dma_semaphore, #tpu.memory_space<semaphore_mem>>
      %dma_start3A = arith.constant 0 : i32
      %dma_start3A_26 = tpu.memref_slice %arg5[%arg0, %mul3A_0, %dma_start3A] : memref<2x10240x128xf32, #tpu.memory_space<hbm>> -> memref<1x640x128xf32, #tpu.memory_space<hbm>>
      %dma_start3A_27 = tpu.memref_squeeze %dma_start3A_26 : memref<1x640x128xf32, #tpu.memory_space<hbm>> -> memref<640x128xf32, #tpu.memory_space<hbm>>
      %dma_start3A_28 = arith.constant 0 : i32
      %dma_start3A_29 = tpu.memref_slice %arg12[%mul3A_0, %dma_start3A_28] : memref<10240x128xf32, #tpu.memory_space<vmem_shared>> -> memref<640x128xf32, #tpu.memory_space<vmem_shared>>
      tpu.enqueue_dma source(%dma_start3A_29 : memref<640x128xf32, #tpu.memory_space<vmem_shared>>) target(%dma_start3A_27 : memref<640x128xf32, #tpu.memory_space<hbm>>) target_semaphore(%run_scoped3A : memref<!tpu.dma_semaphore, #tpu.memory_space<semaphore_mem>>)
      %dma_wait3A = arith.constant 0 : i32
      %dma_wait3A_30 = tpu.memref_slice %arg5[%arg0, %mul3A_0, %dma_wait3A] : memref<2x10240x128xf32, #tpu.memory_space<hbm>> -> memref<1x640x128xf32, #tpu.memory_space<hbm>>
      %dma_wait3A_31 = tpu.memref_squeeze %dma_wait3A_30 : memref<1x640x128xf32, #tpu.memory_space<hbm>> -> memref<640x128xf32, #tpu.memory_space<hbm>>
      %dma_wait3A_32 = arith.constant 0 : i32
      %dma_wait3A_33 = tpu.memref_slice %arg12[%mul3A_0, %dma_wait3A_32] : memref<10240x128xf32, #tpu.memory_space<vmem_shared>> -> memref<640x128xf32, #tpu.memory_space<vmem_shared>>
      tpu.wait_dma2 semaphore(%run_scoped3A : memref<!tpu.dma_semaphore, #tpu.memory_space<semaphore_mem>>) src(%dma_wait3A_33 : memref<640x128xf32, #tpu.memory_space<vmem_shared>>) dst(%dma_wait3A_31 : memref<640x128xf32, #tpu.memory_space<hbm>>)
      tpu.yield
    }) : () -> ()
    %barrier3A_17 = arith.constant 0 : index
    tpu.barrier barrier_id(%barrier3A_17)
    "tpu.region"() ({
      %run_scoped3A = tpu.sem_alloc : memref<!tpu.dma_semaphore, #tpu.memory_space<semaphore_mem>>
      %dma_start3A = arith.constant 0 : i32
      %dma_start3A_26 = tpu.memref_slice %arg12[%mul3A_0, %dma_start3A] : memref<10240x128xf32, #tpu.memory_space<vmem_shared>> -> memref<640x128xf32, #tpu.memory_space<vmem_shared>>
      %dma_start3A_27 = arith.constant 0 : i32
      %dma_start3A_28 = tpu.memref_slice %arg4[%mul3A_0, %dma_start3A_27] : memref<10240x128xf32, #tpu.memory_space<hbm>> -> memref<640x128xf32, #tpu.memory_space<hbm>>
      tpu.enqueue_dma source(%dma_start3A_28 : memref<640x128xf32, #tpu.memory_space<hbm>>) target(%dma_start3A_26 : memref<640x128xf32, #tpu.memory_space<vmem_shared>>) target_semaphore(%run_scoped3A : memref<!tpu.dma_semaphore, #tpu.memory_space<semaphore_mem>>)
      %dma_wait3A = arith.constant 0 : i32
      %dma_wait3A_29 = tpu.memref_slice %arg12[%mul3A_0, %dma_wait3A] : memref<10240x128xf32, #tpu.memory_space<vmem_shared>> -> memref<640x128xf32, #tpu.memory_space<vmem_shared>>
      %dma_wait3A_30 = arith.constant 0 : i32
      %dma_wait3A_31 = tpu.memref_slice %arg4[%mul3A_0, %dma_wait3A_30] : memref<10240x128xf32, #tpu.memory_space<hbm>> -> memref<640x128xf32, #tpu.memory_space<hbm>>
      tpu.wait_dma2 semaphore(%run_scoped3A : memref<!tpu.dma_semaphore, #tpu.memory_space<semaphore_mem>>) src(%dma_wait3A_31 : memref<640x128xf32, #tpu.memory_space<hbm>>) dst(%dma_wait3A_29 : memref<640x128xf32, #tpu.memory_space<vmem_shared>>)
      tpu.yield
    }) : () -> ()
    %barrier3A_18 = arith.constant 0 : index
    tpu.barrier barrier_id(%barrier3A_18)
    %scan3A_19 = arith.constant 0 : i32
    %scan3A_20 = arith.constant 0 : i32
    %scan3A_21 = arith.constant 125 : i32
    %scan3A_22 = arith.addi %scan3A_20, %scan3A_21 : i32
    %scan3A_23 = arith.constant 1 : i32
    scf.for %scan3A_26 = %scan3A_20 to %scan3A_22 step %scan3A_23  : i32 {
      %mul3A_27 = arith.constant 80 : i32
      %mul3A_28 = arith.muli %scan3A_26, %mul3A_27 : i32
      %add3A_29 = arith.addi %mul3A_9, %mul3A_28 : i32
      %mul3A_30 = arith.constant 4 : i32
      %mul3A_31 = arith.muli %mul3A_30, %add3A_29 : i32
      "tpu.region"() ({
        %run_scoped3A = tpu.sem_alloc : memref<!tpu.dma_semaphore, #tpu.memory_space<semaphore_mem>>
        %dma_start3A = tpu.memref_slice %arg3[%mul3A_31] : memref<1280000xi32, #tpu.memory_space<hbm>> -> memref<320xi32, #tpu.memory_space<hbm>>
        %dma_start3A_78 = tpu.memref_slice %arg3[%mul3A_31] : memref<1280000xi32, #tpu.memory_space<hbm>> -> memref<320xi32, #tpu.memory_space<hbm>>
        tpu.enqueue_dma source(%dma_start3A_78 : memref<320xi32, #tpu.memory_space<hbm>>) target(%arg9 : memref<320xi32, #tpu.memory_space<vmem>>) target_semaphore(%run_scoped3A : memref<!tpu.dma_semaphore, #tpu.memory_space<semaphore_mem>>)
        %dma_wait3A = tpu.memref_slice %arg3[%mul3A_31] : memref<1280000xi32, #tpu.memory_space<hbm>> -> memref<320xi32, #tpu.memory_space<hbm>>
        %dma_wait3A_79 = tpu.memref_slice %arg3[%mul3A_31] : memref<1280000xi32, #tpu.memory_space<hbm>> -> memref<320xi32, #tpu.memory_space<hbm>>
        tpu.wait_dma2 semaphore(%run_scoped3A : memref<!tpu.dma_semaphore, #tpu.memory_space<semaphore_mem>>) src(%dma_wait3A_79 : memref<320xi32, #tpu.memory_space<hbm>>) dst(%arg9 : memref<320xi32, #tpu.memory_space<vmem>>)
        tpu.yield
      }) : () -> ()
      %iota3A = tpu.iota {dimensions = array<i32: 0>} : vector<16xi32>
      %mul3A_32 = arith.constant 4 : i32
      %mul3A_33 = vector.broadcast %mul3A_32 : i32 to vector<16xi32>
      %mul3A_34 = arith.muli %iota3A, %mul3A_33 : vector<16xi32>
      %add3A_35 = arith.constant 0 : i32
      %add3A_36 = vector.broadcast %add3A_35 : i32 to vector<16xi32>
      %add3A_37 = arith.addi %mul3A_34, %add3A_36 : vector<16xi32>
      %add3A_38 = arith.constant 2 : i32
      %add3A_39 = vector.broadcast %add3A_38 : i32 to vector<16xi32>
      %add3A_40 = arith.addi %add3A_37, %add3A_39 : vector<16xi32>
      %gather3A = tpu.vector_load_idx %arg9[%add3A_40] : memref<320xi32, #tpu.memory_space<vmem>>[vector<16xi32>], vector<16xi32>,
      %swap3A = arith.constant 0 : index
      %swap3A_41 = tpu.vector_load %arg8[%swap3A] {strides = array<i32>} : memref<80xi32, #tpu.memory_space<vmem>>, vector<16xi32>,
      tpu.vector_store %arg8[%swap3A], %gather3A {strides = array<i32>} : memref<80xi32, #tpu.memory_space<vmem>>, vector<16xi32>,
      %add3A_42 = arith.constant 64 : i32
      %add3A_43 = vector.broadcast %add3A_42 : i32 to vector<16xi32>
      %add3A_44 = arith.addi %mul3A_34, %add3A_43 : vector<16xi32>
      %add3A_45 = arith.constant 2 : i32
      %add3A_46 = vector.broadcast %add3A_45 : i32 to vector<16xi32>
      %add3A_47 = arith.addi %add3A_44, %add3A_46 : vector<16xi32>
      %gather3A_48 = tpu.vector_load_idx %arg9[%add3A_47] : memref<320xi32, #tpu.memory_space<vmem>>[vector<16xi32>], vector<16xi32>,
      %swap3A_49 = arith.constant 16 : index
      %swap3A_50 = tpu.vector_load %arg8[%swap3A_49] {strides = array<i32>} : memref<80xi32, #tpu.memory_space<vmem>>, vector<16xi32>,
      tpu.vector_store %arg8[%swap3A_49], %gather3A_48 {strides = array<i32>} : memref<80xi32, #tpu.memory_space<vmem>>, vector<16xi32>,
      %add3A_51 = arith.constant 128 : i32
      %add3A_52 = vector.broadcast %add3A_51 : i32 to vector<16xi32>
      %add3A_53 = arith.addi %mul3A_34, %add3A_52 : vector<16xi32>
      %add3A_54 = arith.constant 2 : i32
      %add3A_55 = vector.broadcast %add3A_54 : i32 to vector<16xi32>
      %add3A_56 = arith.addi %add3A_53, %add3A_55 : vector<16xi32>
      %gather3A_57 = tpu.vector_load_idx %arg9[%add3A_56] : memref<320xi32, #tpu.memory_space<vmem>>[vector<16xi32>], vector<16xi32>,
      %swap3A_58 = arith.constant 32 : index
      %swap3A_59 = tpu.vector_load %arg8[%swap3A_58] {strides = array<i32>} : memref<80xi32, #tpu.memory_space<vmem>>, vector<16xi32>,
      tpu.vector_store %arg8[%swap3A_58], %gather3A_57 {strides = array<i32>} : memref<80xi32, #tpu.memory_space<vmem>>, vector<16xi32>,
      %add3A_60 = arith.constant 192 : i32
      %add3A_61 = vector.broadcast %add3A_60 : i32 to vector<16xi32>
      %add3A_62 = arith.addi %mul3A_34, %add3A_61 : vector<16xi32>
      %add3A_63 = arith.constant 2 : i32
      %add3A_64 = vector.broadcast %add3A_63 : i32 to vector<16xi32>
      %add3A_65 = arith.addi %add3A_62, %add3A_64 : vector<16xi32>
      %gather3A_66 = tpu.vector_load_idx %arg9[%add3A_65] : memref<320xi32, #tpu.memory_space<vmem>>[vector<16xi32>], vector<16xi32>,
      %swap3A_67 = arith.constant 48 : index
      %swap3A_68 = tpu.vector_load %arg8[%swap3A_67] {strides = array<i32>} : memref<80xi32, #tpu.memory_space<vmem>>, vector<16xi32>,
      tpu.vector_store %arg8[%swap3A_67], %gather3A_66 {strides = array<i32>} : memref<80xi32, #tpu.memory_space<vmem>>, vector<16xi32>,
      %add3A_69 = arith.constant 256 : i32
      %add3A_70 = vector.broadcast %add3A_69 : i32 to vector<16xi32>
      %add3A_71 = arith.addi %mul3A_34, %add3A_70 : vector<16xi32>
      %add3A_72 = arith.constant 2 : i32
      %add3A_73 = vector.broadcast %add3A_72 : i32 to vector<16xi32>
      %add3A_74 = arith.addi %add3A_71, %add3A_73 : vector<16xi32>
      %gather3A_75 = tpu.vector_load_idx %arg9[%add3A_74] : memref<320xi32, #tpu.memory_space<vmem>>[vector<16xi32>], vector<16xi32>,
      %swap3A_76 = arith.constant 64 : index
      %swap3A_77 = tpu.vector_load %arg8[%swap3A_76] {strides = array<i32>} : memref<80xi32, #tpu.memory_space<vmem>>, vector<16xi32>,
      tpu.vector_store %arg8[%swap3A_76], %gather3A_75 {strides = array<i32>} : memref<80xi32, #tpu.memory_space<vmem>>, vector<16xi32>,
      "tpu.region"() ({
        %run_scoped3A = tpu.sem_alloc : memref<!tpu.dma_semaphore, #tpu.memory_space<semaphore_mem>>
        %dma_start3A = arith.constant 0 : i32
        %dma_start3A_78 = arith.constant 0 : i32
        %dma_start3A_79 = tpu.memref_slice %arg12[%dma_start3A, %dma_start3A_78] : memref<10240x128xf32, #tpu.memory_space<vmem_shared>> -> memref<10240x128xf32, #tpu.memory_space<vmem_shared>>
        tpu.enqueue_indirect_dma source(%arg11 : memref<80x128xf32, #tpu.memory_space<vmem>>) target(%dma_start3A_79 : memref<10240x128xf32, #tpu.memory_space<vmem_shared>>) offsets(%arg8 : memref<80xi32, #tpu.memory_space<vmem>>) semaphore(%run_scoped3A : memref<!tpu.dma_semaphore, #tpu.memory_space<semaphore_mem>>) {add = true}
        %dma_wait3A = arith.constant 0 : i32
        %dma_wait3A_80 = arith.constant 0 : i32
        %dma_wait3A_81 = tpu.memref_slice %arg12[%dma_wait3A, %dma_wait3A_80] : memref<10240x128xf32, #tpu.memory_space<vmem_shared>> -> memref<10240x128xf32, #tpu.memory_space<vmem_shared>>
        tpu.wait_indirect_dma semaphore(%run_scoped3A : memref<!tpu.dma_semaphore, #tpu.memory_space<semaphore_mem>>) src(%arg11 : memref<80x128xf32, #tpu.memory_space<vmem>>) dst(%dma_wait3A_81 : memref<10240x128xf32, #tpu.memory_space<vmem_shared>>)
        tpu.yield
      }) : () -> ()
    }
    %scan3A_24 = arith.constant 125 : i32
    %barrier3A_25 = arith.constant 0 : index
    tpu.barrier barrier_id(%barrier3A_25)
    "tpu.region"() ({
      %run_scoped3A = tpu.sem_alloc : memref<!tpu.dma_semaphore, #tpu.memory_space<semaphore_mem>>
      %dma_start3A = arith.constant 0 : i32
      %dma_start3A_26 = tpu.memref_slice %arg6[%arg0, %mul3A_0, %dma_start3A] : memref<2x10240x128xf32, #tpu.memory_space<hbm>> -> memref<1x640x128xf32, #tpu.memory_space<hbm>>
      %dma_start3A_27 = tpu.memref_squeeze %dma_start3A_26 : memref<1x640x128xf32, #tpu.memory_space<hbm>> -> memref<640x128xf32, #tpu.memory_space<hbm>>
      %dma_start3A_28 = arith.constant 0 : i32
      %dma_start3A_29 = tpu.memref_slice %arg12[%mul3A_0, %dma_start3A_28] : memref<10240x128xf32, #tpu.memory_space<vmem_shared>> -> memref<640x128xf32, #tpu.memory_space<vmem_shared>>
      tpu.enqueue_dma source(%dma_start3A_29 : memref<640x128xf32, #tpu.memory_space<vmem_shared>>) target(%dma_start3A_27 : memref<640x128xf32, #tpu.memory_space<hbm>>) target_semaphore(%run_scoped3A : memref<!tpu.dma_semaphore, #tpu.memory_space<semaphore_mem>>)
      %dma_wait3A = arith.constant 0 : i32
      %dma_wait3A_30 = tpu.memref_slice %arg6[%arg0, %mul3A_0, %dma_wait3A] : memref<2x10240x128xf32, #tpu.memory_space<hbm>> -> memref<1x640x128xf32, #tpu.memory_space<hbm>>
      %dma_wait3A_31 = tpu.memref_squeeze %dma_wait3A_30 : memref<1x640x128xf32, #tpu.memory_space<hbm>> -> memref<640x128xf32, #tpu.memory_space<hbm>>
      %dma_wait3A_32 = arith.constant 0 : i32
      %dma_wait3A_33 = tpu.memref_slice %arg12[%mul3A_0, %dma_wait3A_32] : memref<10240x128xf32, #tpu.memory_space<vmem_shared>> -> memref<640x128xf32, #tpu.memory_space<vmem_shared>>
      tpu.wait_dma2 semaphore(%run_scoped3A : memref<!tpu.dma_semaphore, #tpu.memory_space<semaphore_mem>>) src(%dma_wait3A_33 : memref<640x128xf32, #tpu.memory_space<vmem_shared>>) dst(%dma_wait3A_31 : memref<640x128xf32, #tpu.memory_space<hbm>>)
      tpu.yield
    }) : () -> ()
    return
  }
}

#map = affine_map<(d0, d1) -> (0, 0)>
#map1 = affine_map<(d0, d1) -> (0)>
#map2 = affine_map<(d0, d1) -> (0, 0, 0)>
module attributes {stable_mosaic.version = 14 : i64} {
  func.func @_sc_layer_k(%arg0: i32, %arg1: i32, %arg2: memref<20000x128xf32, #tpu.memory_space<hbm>>, %arg3: memref<1280000xi32, #tpu.memory_space<hbm>>, %arg4: memref<10240x128xf32, #tpu.memory_space<hbm>>, %arg5: memref<2x10240x128xf32, #tpu.memory_space<hbm>>, %arg6: memref<80xi32, #tpu.memory_space<vmem>>, %arg7: memref<80xi32, #tpu.memory_space<vmem>>, %arg8: memref<320xi32, #tpu.memory_space<vmem>>, %arg9: memref<80x128xf32, #tpu.memory_space<vmem>>, %arg10: memref<10240x128xf32, #tpu.memory_space<vmem_shared>>, %arg11: memref<!tpu.dma_semaphore, #tpu.memory_space<semaphore_mem>>) attributes {dimension_semantics = [#tpu.dimension_semantics<core_parallel>, #tpu.dimension_semantics<subcore_parallel>], iteration_bounds = array<i64: 2, 16>, scalar_prefetch = 0 : i64, scratch_operands = 6 : i64, tpu.core_type = #tpu.core_type<sc_vector_subcore>, window_params = [{transform_indices = #map}, {transform_indices = #map1}, {transform_indices = #map}, {transform_indices = #map2}]} {
    %mul3A = arith.constant 640 : i32
    %mul3A_0 = arith.muli %arg1, %mul3A : i32
    "tpu.region"() ({
      %run_scoped3A = tpu.sem_alloc : memref<!tpu.dma_semaphore, #tpu.memory_space<semaphore_mem>>
      %dma_start3A = arith.constant 0 : i32
      %dma_start3A_9 = tpu.memref_slice %arg10[%mul3A_0, %dma_start3A] : memref<10240x128xf32, #tpu.memory_space<vmem_shared>> -> memref<640x128xf32, #tpu.memory_space<vmem_shared>>
      %dma_start3A_10 = arith.constant 0 : i32
      %dma_start3A_11 = tpu.memref_slice %arg4[%mul3A_0, %dma_start3A_10] : memref<10240x128xf32, #tpu.memory_space<hbm>> -> memref<640x128xf32, #tpu.memory_space<hbm>>
      tpu.enqueue_dma source(%dma_start3A_11 : memref<640x128xf32, #tpu.memory_space<hbm>>) target(%dma_start3A_9 : memref<640x128xf32, #tpu.memory_space<vmem_shared>>) target_semaphore(%run_scoped3A : memref<!tpu.dma_semaphore, #tpu.memory_space<semaphore_mem>>)
      %dma_wait3A = arith.constant 0 : i32
      %dma_wait3A_12 = tpu.memref_slice %arg10[%mul3A_0, %dma_wait3A] : memref<10240x128xf32, #tpu.memory_space<vmem_shared>> -> memref<640x128xf32, #tpu.memory_space<vmem_shared>>
      %dma_wait3A_13 = arith.constant 0 : i32
      %dma_wait3A_14 = tpu.memref_slice %arg4[%mul3A_0, %dma_wait3A_13] : memref<10240x128xf32, #tpu.memory_space<hbm>> -> memref<640x128xf32, #tpu.memory_space<hbm>>
      tpu.wait_dma2 semaphore(%run_scoped3A : memref<!tpu.dma_semaphore, #tpu.memory_space<semaphore_mem>>) src(%dma_wait3A_14 : memref<640x128xf32, #tpu.memory_space<hbm>>) dst(%dma_wait3A_12 : memref<640x128xf32, #tpu.memory_space<vmem_shared>>)
      tpu.yield
    }) : () -> ()
    %barrier3A = arith.constant 0 : index
    tpu.barrier barrier_id(%barrier3A)
    %mul3A_1 = arith.constant 20000 : i32
    %mul3A_2 = arith.muli %arg1, %mul3A_1 : i32
    %scan3A = arith.constant 0 : i32
    %scan3A_3 = arith.constant 0 : i32
    %scan3A_4 = arith.constant 250 : i32
    %scan3A_5 = arith.addi %scan3A_3, %scan3A_4 : i32
    %scan3A_6 = arith.constant 1 : i32
    scf.for %scan3A_9 = %scan3A_3 to %scan3A_5 step %scan3A_6  : i32 {
      %mul3A_10 = arith.constant 80 : i32
      %mul3A_11 = arith.muli %scan3A_9, %mul3A_10 : i32
      %add3A = arith.addi %mul3A_2, %mul3A_11 : i32
      %mul3A_12 = arith.constant 4 : i32
      %mul3A_13 = arith.muli %mul3A_12, %add3A : i32
      "tpu.region"() ({
        %run_scoped3A = tpu.sem_alloc : memref<!tpu.dma_semaphore, #tpu.memory_space<semaphore_mem>>
        %dma_start3A_114 = tpu.memref_slice %arg3[%mul3A_13] : memref<1280000xi32, #tpu.memory_space<hbm>> -> memref<320xi32, #tpu.memory_space<hbm>>
        %dma_start3A_115 = tpu.memref_slice %arg3[%mul3A_13] : memref<1280000xi32, #tpu.memory_space<hbm>> -> memref<320xi32, #tpu.memory_space<hbm>>
        tpu.enqueue_dma source(%dma_start3A_115 : memref<320xi32, #tpu.memory_space<hbm>>) target(%arg8 : memref<320xi32, #tpu.memory_space<vmem>>) target_semaphore(%run_scoped3A : memref<!tpu.dma_semaphore, #tpu.memory_space<semaphore_mem>>)
        %dma_wait3A_116 = tpu.memref_slice %arg3[%mul3A_13] : memref<1280000xi32, #tpu.memory_space<hbm>> -> memref<320xi32, #tpu.memory_space<hbm>>
        %dma_wait3A_117 = tpu.memref_slice %arg3[%mul3A_13] : memref<1280000xi32, #tpu.memory_space<hbm>> -> memref<320xi32, #tpu.memory_space<hbm>>
        tpu.wait_dma2 semaphore(%run_scoped3A : memref<!tpu.dma_semaphore, #tpu.memory_space<semaphore_mem>>) src(%dma_wait3A_117 : memref<320xi32, #tpu.memory_space<hbm>>) dst(%arg8 : memref<320xi32, #tpu.memory_space<vmem>>)
        tpu.yield
      }) : () -> ()
      %iota3A = tpu.iota {dimensions = array<i32: 0>} : vector<16xi32>
      %mul3A_14 = arith.constant 4 : i32
      %mul3A_15 = vector.broadcast %mul3A_14 : i32 to vector<16xi32>
      %mul3A_16 = arith.muli %iota3A, %mul3A_15 : vector<16xi32>
      %add3A_17 = arith.constant 0 : i32
      %add3A_18 = vector.broadcast %add3A_17 : i32 to vector<16xi32>
      %add3A_19 = arith.addi %mul3A_16, %add3A_18 : vector<16xi32>
      %add3A_20 = vector.broadcast %arg0 : i32 to vector<16xi32>
      %add3A_21 = arith.addi %add3A_19, %add3A_20 : vector<16xi32>
      %gather3A = tpu.vector_load_idx %arg8[%add3A_21] : memref<320xi32, #tpu.memory_space<vmem>>[vector<16xi32>], vector<16xi32>,
      %swap3A = arith.constant 0 : index
      %swap3A_22 = tpu.vector_load %arg6[%swap3A] {strides = array<i32>} : memref<80xi32, #tpu.memory_space<vmem>>, vector<16xi32>,
      tpu.vector_store %arg6[%swap3A], %gather3A {strides = array<i32>} : memref<80xi32, #tpu.memory_space<vmem>>, vector<16xi32>,
      %add3A_23 = arith.constant 64 : i32
      %add3A_24 = vector.broadcast %add3A_23 : i32 to vector<16xi32>
      %add3A_25 = arith.addi %mul3A_16, %add3A_24 : vector<16xi32>
      %add3A_26 = vector.broadcast %arg0 : i32 to vector<16xi32>
      %add3A_27 = arith.addi %add3A_25, %add3A_26 : vector<16xi32>
      %gather3A_28 = tpu.vector_load_idx %arg8[%add3A_27] : memref<320xi32, #tpu.memory_space<vmem>>[vector<16xi32>], vector<16xi32>,
      %swap3A_29 = arith.constant 16 : index
      %swap3A_30 = tpu.vector_load %arg6[%swap3A_29] {strides = array<i32>} : memref<80xi32, #tpu.memory_space<vmem>>, vector<16xi32>,
      tpu.vector_store %arg6[%swap3A_29], %gather3A_28 {strides = array<i32>} : memref<80xi32, #tpu.memory_space<vmem>>, vector<16xi32>,
      %add3A_31 = arith.constant 128 : i32
      %add3A_32 = vector.broadcast %add3A_31 : i32 to vector<16xi32>
      %add3A_33 = arith.addi %mul3A_16, %add3A_32 : vector<16xi32>
      %add3A_34 = vector.broadcast %arg0 : i32 to vector<16xi32>
      %add3A_35 = arith.addi %add3A_33, %add3A_34 : vector<16xi32>
      %gather3A_36 = tpu.vector_load_idx %arg8[%add3A_35] : memref<320xi32, #tpu.memory_space<vmem>>[vector<16xi32>], vector<16xi32>,
      %swap3A_37 = arith.constant 32 : index
      %swap3A_38 = tpu.vector_load %arg6[%swap3A_37] {strides = array<i32>} : memref<80xi32, #tpu.memory_space<vmem>>, vector<16xi32>,
      tpu.vector_store %arg6[%swap3A_37], %gather3A_36 {strides = array<i32>} : memref<80xi32, #tpu.memory_space<vmem>>, vector<16xi32>,
      %add3A_39 = arith.constant 192 : i32
      %add3A_40 = vector.broadcast %add3A_39 : i32 to vector<16xi32>
      %add3A_41 = arith.addi %mul3A_16, %add3A_40 : vector<16xi32>
      %add3A_42 = vector.broadcast %arg0 : i32 to vector<16xi32>
      %add3A_43 = arith.addi %add3A_41, %add3A_42 : vector<16xi32>
      %gather3A_44 = tpu.vector_load_idx %arg8[%add3A_43] : memref<320xi32, #tpu.memory_space<vmem>>[vector<16xi32>], vector<16xi32>,
      %swap3A_45 = arith.constant 48 : index
      %swap3A_46 = tpu.vector_load %arg6[%swap3A_45] {strides = array<i32>} : memref<80xi32, #tpu.memory_space<vmem>>, vector<16xi32>,
      tpu.vector_store %arg6[%swap3A_45], %gather3A_44 {strides = array<i32>} : memref<80xi32, #tpu.memory_space<vmem>>, vector<16xi32>,
      %add3A_47 = arith.constant 256 : i32
      %add3A_48 = vector.broadcast %add3A_47 : i32 to vector<16xi32>
      %add3A_49 = arith.addi %mul3A_16, %add3A_48 : vector<16xi32>
      %add3A_50 = vector.broadcast %arg0 : i32 to vector<16xi32>
      %add3A_51 = arith.addi %add3A_49, %add3A_50 : vector<16xi32>
      %gather3A_52 = tpu.vector_load_idx %arg8[%add3A_51] : memref<320xi32, #tpu.memory_space<vmem>>[vector<16xi32>], vector<16xi32>,
      %swap3A_53 = arith.constant 64 : index
      %swap3A_54 = tpu.vector_load %arg6[%swap3A_53] {strides = array<i32>} : memref<80xi32, #tpu.memory_space<vmem>>, vector<16xi32>,
      tpu.vector_store %arg6[%swap3A_53], %gather3A_52 {strides = array<i32>} : memref<80xi32, #tpu.memory_space<vmem>>, vector<16xi32>,
      %iota3A_55 = tpu.iota {dimensions = array<i32: 0>} : vector<16xi32>
      %mul3A_56 = arith.constant 4 : i32
      %mul3A_57 = vector.broadcast %mul3A_56 : i32 to vector<16xi32>
      %mul3A_58 = arith.muli %iota3A_55, %mul3A_57 : vector<16xi32>
      %add3A_59 = arith.constant 0 : i32
      %add3A_60 = vector.broadcast %add3A_59 : i32 to vector<16xi32>
      %add3A_61 = arith.addi %mul3A_58, %add3A_60 : vector<16xi32>
      %add3A_62 = arith.constant 2 : i32
      %add3A_63 = vector.broadcast %add3A_62 : i32 to vector<16xi32>
      %add3A_64 = arith.addi %add3A_61, %add3A_63 : vector<16xi32>
      %gather3A_65 = tpu.vector_load_idx %arg8[%add3A_64] : memref<320xi32, #tpu.memory_space<vmem>>[vector<16xi32>], vector<16xi32>,
      %swap3A_66 = arith.constant 0 : index
      %swap3A_67 = tpu.vector_load %arg7[%swap3A_66] {strides = array<i32>} : memref<80xi32, #tpu.memory_space<vmem>>, vector<16xi32>,
      tpu.vector_store %arg7[%swap3A_66], %gather3A_65 {strides = array<i32>} : memref<80xi32, #tpu.memory_space<vmem>>, vector<16xi32>,
      %add3A_68 = arith.constant 64 : i32
      %add3A_69 = vector.broadcast %add3A_68 : i32 to vector<16xi32>
      %add3A_70 = arith.addi %mul3A_58, %add3A_69 : vector<16xi32>
      %add3A_71 = arith.constant 2 : i32
      %add3A_72 = vector.broadcast %add3A_71 : i32 to vector<16xi32>
      %add3A_73 = arith.addi %add3A_70, %add3A_72 : vector<16xi32>
      %gather3A_74 = tpu.vector_load_idx %arg8[%add3A_73] : memref<320xi32, #tpu.memory_space<vmem>>[vector<16xi32>], vector<16xi32>,
      %swap3A_75 = arith.constant 16 : index
      %swap3A_76 = tpu.vector_load %arg7[%swap3A_75] {strides = array<i32>} : memref<80xi32, #tpu.memory_space<vmem>>, vector<16xi32>,
      tpu.vector_store %arg7[%swap3A_75], %gather3A_74 {strides = array<i32>} : memref<80xi32, #tpu.memory_space<vmem>>, vector<16xi32>,
      %add3A_77 = arith.constant 128 : i32
      %add3A_78 = vector.broadcast %add3A_77 : i32 to vector<16xi32>
      %add3A_79 = arith.addi %mul3A_58, %add3A_78 : vector<16xi32>
      %add3A_80 = arith.constant 2 : i32
      %add3A_81 = vector.broadcast %add3A_80 : i32 to vector<16xi32>
      %add3A_82 = arith.addi %add3A_79, %add3A_81 : vector<16xi32>
      %gather3A_83 = tpu.vector_load_idx %arg8[%add3A_82] : memref<320xi32, #tpu.memory_space<vmem>>[vector<16xi32>], vector<16xi32>,
      %swap3A_84 = arith.constant 32 : index
      %swap3A_85 = tpu.vector_load %arg7[%swap3A_84] {strides = array<i32>} : memref<80xi32, #tpu.memory_space<vmem>>, vector<16xi32>,
      tpu.vector_store %arg7[%swap3A_84], %gather3A_83 {strides = array<i32>} : memref<80xi32, #tpu.memory_space<vmem>>, vector<16xi32>,
      %add3A_86 = arith.constant 192 : i32
      %add3A_87 = vector.broadcast %add3A_86 : i32 to vector<16xi32>
      %add3A_88 = arith.addi %mul3A_58, %add3A_87 : vector<16xi32>
      %add3A_89 = arith.constant 2 : i32
      %add3A_90 = vector.broadcast %add3A_89 : i32 to vector<16xi32>
      %add3A_91 = arith.addi %add3A_88, %add3A_90 : vector<16xi32>
      %gather3A_92 = tpu.vector_load_idx %arg8[%add3A_91] : memref<320xi32, #tpu.memory_space<vmem>>[vector<16xi32>], vector<16xi32>,
      %swap3A_93 = arith.constant 48 : index
      %swap3A_94 = tpu.vector_load %arg7[%swap3A_93] {strides = array<i32>} : memref<80xi32, #tpu.memory_space<vmem>>, vector<16xi32>,
      tpu.vector_store %arg7[%swap3A_93], %gather3A_92 {strides = array<i32>} : memref<80xi32, #tpu.memory_space<vmem>>, vector<16xi32>,
      %add3A_95 = arith.constant 256 : i32
      %add3A_96 = vector.broadcast %add3A_95 : i32 to vector<16xi32>
      %add3A_97 = arith.addi %mul3A_58, %add3A_96 : vector<16xi32>
      %add3A_98 = arith.constant 2 : i32
      %add3A_99 = vector.broadcast %add3A_98 : i32 to vector<16xi32>
      %add3A_100 = arith.addi %add3A_97, %add3A_99 : vector<16xi32>
      %gather3A_101 = tpu.vector_load_idx %arg8[%add3A_100] : memref<320xi32, #tpu.memory_space<vmem>>[vector<16xi32>], vector<16xi32>,
      %swap3A_102 = arith.constant 64 : index
      %swap3A_103 = tpu.vector_load %arg7[%swap3A_102] {strides = array<i32>} : memref<80xi32, #tpu.memory_space<vmem>>, vector<16xi32>,
      tpu.vector_store %arg7[%swap3A_102], %gather3A_101 {strides = array<i32>} : memref<80xi32, #tpu.memory_space<vmem>>, vector<16xi32>,
      %dma_start3A = arith.constant 0 : i32
      %dma_start3A_104 = arith.constant 0 : i32
      %dma_start3A_105 = tpu.memref_slice %arg2[%dma_start3A, %dma_start3A_104] : memref<20000x128xf32, #tpu.memory_space<hbm>> -> memref<20000x128xf32, #tpu.memory_space<hbm>>
      tpu.enqueue_indirect_dma source(%dma_start3A_105 : memref<20000x128xf32, #tpu.memory_space<hbm>>) target(%arg9 : memref<80x128xf32, #tpu.memory_space<vmem>>) offsets(%arg6 : memref<80xi32, #tpu.memory_space<vmem>>) semaphore(%arg11 : memref<!tpu.dma_semaphore, #tpu.memory_space<semaphore_mem>>)
      %dma_wait3A = arith.constant 0 : i32
      %dma_wait3A_106 = arith.constant 0 : i32
      %dma_wait3A_107 = tpu.memref_slice %arg2[%dma_wait3A, %dma_wait3A_106] : memref<20000x128xf32, #tpu.memory_space<hbm>> -> memref<20000x128xf32, #tpu.memory_space<hbm>>
      tpu.wait_indirect_dma semaphore(%arg11 : memref<!tpu.dma_semaphore, #tpu.memory_space<semaphore_mem>>) src(%dma_wait3A_107 : memref<20000x128xf32, #tpu.memory_space<hbm>>) dst(%arg9 : memref<80x128xf32, #tpu.memory_space<vmem>>)
      %scan3A_108 = arith.constant 0 : i32
      %scan3A_109 = arith.constant 0 : i32
      %scan3A_110 = arith.constant 80 : i32
      %scan3A_111 = arith.addi %scan3A_109, %scan3A_110 : i32
      %scan3A_112 = arith.constant 1 : i32
      scf.for %scan3A_114 = %scan3A_109 to %scan3A_111 step %scan3A_112  : i32 {
        %mul3A_115 = arith.constant 4 : i32
        %mul3A_116 = arith.muli %mul3A_115, %scan3A_114 : i32
        %add3A_117 = arith.constant 3 : i32
        %add3A_118 = arith.addi %mul3A_116, %add3A_117 : i32
        %broadcast_in_dim3A = vector.broadcast %add3A_118 : i32 to vector<16xi32>
        %gather3A_119 = tpu.vector_load_idx %arg8[%broadcast_in_dim3A] : memref<320xi32, #tpu.memory_space<vmem>>[vector<16xi32>], vector<16xi32>,
        %bitcast3A = vector.bitcast %gather3A_119 : vector<16xi32> to vector<16xf32>
        %get3A = arith.index_cast %scan3A_114 : i32 to index
        %get3A_120 = arith.constant 0 : index
        %get3A_121 = tpu.vector_load %arg9[%get3A, %get3A_120] {strides = array<i32>} : memref<80x128xf32, #tpu.memory_space<vmem>>, vector<16xf32>,
        %mul3A_122 = arith.mulf %get3A_121, %bitcast3A : vector<16xf32>
        %swap3A_123 = arith.index_cast %scan3A_114 : i32 to index
        %swap3A_124 = arith.constant 0 : index
        %swap3A_125 = tpu.vector_load %arg9[%swap3A_123, %swap3A_124] {strides = array<i32>} : memref<80x128xf32, #tpu.memory_space<vmem>>, vector<16xf32>,
        tpu.vector_store %arg9[%swap3A_123, %swap3A_124], %mul3A_122 {strides = array<i32>} : memref<80x128xf32, #tpu.memory_space<vmem>>, vector<16xf32>,
        %get3A_126 = arith.index_cast %scan3A_114 : i32 to index
        %get3A_127 = arith.constant 16 : index
        %get3A_128 = tpu.vector_load %arg9[%get3A_126, %get3A_127] {strides = array<i32>} : memref<80x128xf32, #tpu.memory_space<vmem>>, vector<16xf32>,
        %mul3A_129 = arith.mulf %get3A_128, %bitcast3A : vector<16xf32>
        %swap3A_130 = arith.index_cast %scan3A_114 : i32 to index
        %swap3A_131 = arith.constant 16 : index
        %swap3A_132 = tpu.vector_load %arg9[%swap3A_130, %swap3A_131] {strides = array<i32>} : memref<80x128xf32, #tpu.memory_space<vmem>>, vector<16xf32>,
        tpu.vector_store %arg9[%swap3A_130, %swap3A_131], %mul3A_129 {strides = array<i32>} : memref<80x128xf32, #tpu.memory_space<vmem>>, vector<16xf32>,
        %get3A_133 = arith.index_cast %scan3A_114 : i32 to index
        %get3A_134 = arith.constant 32 : index
        %get3A_135 = tpu.vector_load %arg9[%get3A_133, %get3A_134] {strides = array<i32>} : memref<80x128xf32, #tpu.memory_space<vmem>>, vector<16xf32>,
        %mul3A_136 = arith.mulf %get3A_135, %bitcast3A : vector<16xf32>
        %swap3A_137 = arith.index_cast %scan3A_114 : i32 to index
        %swap3A_138 = arith.constant 32 : index
        %swap3A_139 = tpu.vector_load %arg9[%swap3A_137, %swap3A_138] {strides = array<i32>} : memref<80x128xf32, #tpu.memory_space<vmem>>, vector<16xf32>,
        tpu.vector_store %arg9[%swap3A_137, %swap3A_138], %mul3A_136 {strides = array<i32>} : memref<80x128xf32, #tpu.memory_space<vmem>>, vector<16xf32>,
        %get3A_140 = arith.index_cast %scan3A_114 : i32 to index
        %get3A_141 = arith.constant 48 : index
        %get3A_142 = tpu.vector_load %arg9[%get3A_140, %get3A_141] {strides = array<i32>} : memref<80x128xf32, #tpu.memory_space<vmem>>, vector<16xf32>,
        %mul3A_143 = arith.mulf %get3A_142, %bitcast3A : vector<16xf32>
        %swap3A_144 = arith.index_cast %scan3A_114 : i32 to index
        %swap3A_145 = arith.constant 48 : index
        %swap3A_146 = tpu.vector_load %arg9[%swap3A_144, %swap3A_145] {strides = array<i32>} : memref<80x128xf32, #tpu.memory_space<vmem>>, vector<16xf32>,
        tpu.vector_store %arg9[%swap3A_144, %swap3A_145], %mul3A_143 {strides = array<i32>} : memref<80x128xf32, #tpu.memory_space<vmem>>, vector<16xf32>,
        %get3A_147 = arith.index_cast %scan3A_114 : i32 to index
        %get3A_148 = arith.constant 64 : index
        %get3A_149 = tpu.vector_load %arg9[%get3A_147, %get3A_148] {strides = array<i32>} : memref<80x128xf32, #tpu.memory_space<vmem>>, vector<16xf32>,
        %mul3A_150 = arith.mulf %get3A_149, %bitcast3A : vector<16xf32>
        %swap3A_151 = arith.index_cast %scan3A_114 : i32 to index
        %swap3A_152 = arith.constant 64 : index
        %swap3A_153 = tpu.vector_load %arg9[%swap3A_151, %swap3A_152] {strides = array<i32>} : memref<80x128xf32, #tpu.memory_space<vmem>>, vector<16xf32>,
        tpu.vector_store %arg9[%swap3A_151, %swap3A_152], %mul3A_150 {strides = array<i32>} : memref<80x128xf32, #tpu.memory_space<vmem>>, vector<16xf32>,
        %get3A_154 = arith.index_cast %scan3A_114 : i32 to index
        %get3A_155 = arith.constant 80 : index
        %get3A_156 = tpu.vector_load %arg9[%get3A_154, %get3A_155] {strides = array<i32>} : memref<80x128xf32, #tpu.memory_space<vmem>>, vector<16xf32>,
        %mul3A_157 = arith.mulf %get3A_156, %bitcast3A : vector<16xf32>
        %swap3A_158 = arith.index_cast %scan3A_114 : i32 to index
        %swap3A_159 = arith.constant 80 : index
        %swap3A_160 = tpu.vector_load %arg9[%swap3A_158, %swap3A_159] {strides = array<i32>} : memref<80x128xf32, #tpu.memory_space<vmem>>, vector<16xf32>,
        tpu.vector_store %arg9[%swap3A_158, %swap3A_159], %mul3A_157 {strides = array<i32>} : memref<80x128xf32, #tpu.memory_space<vmem>>, vector<16xf32>,
        %get3A_161 = arith.index_cast %scan3A_114 : i32 to index
        %get3A_162 = arith.constant 96 : index
        %get3A_163 = tpu.vector_load %arg9[%get3A_161, %get3A_162] {strides = array<i32>} : memref<80x128xf32, #tpu.memory_space<vmem>>, vector<16xf32>,
        %mul3A_164 = arith.mulf %get3A_163, %bitcast3A : vector<16xf32>
        %swap3A_165 = arith.index_cast %scan3A_114 : i32 to index
        %swap3A_166 = arith.constant 96 : index
        %swap3A_167 = tpu.vector_load %arg9[%swap3A_165, %swap3A_166] {strides = array<i32>} : memref<80x128xf32, #tpu.memory_space<vmem>>, vector<16xf32>,
        tpu.vector_store %arg9[%swap3A_165, %swap3A_166], %mul3A_164 {strides = array<i32>} : memref<80x128xf32, #tpu.memory_space<vmem>>, vector<16xf32>,
        %get3A_168 = arith.index_cast %scan3A_114 : i32 to index
        %get3A_169 = arith.constant 112 : index
        %get3A_170 = tpu.vector_load %arg9[%get3A_168, %get3A_169] {strides = array<i32>} : memref<80x128xf32, #tpu.memory_space<vmem>>, vector<16xf32>,
        %mul3A_171 = arith.mulf %get3A_170, %bitcast3A : vector<16xf32>
        %swap3A_172 = arith.index_cast %scan3A_114 : i32 to index
        %swap3A_173 = arith.constant 112 : index
        %swap3A_174 = tpu.vector_load %arg9[%swap3A_172, %swap3A_173] {strides = array<i32>} : memref<80x128xf32, #tpu.memory_space<vmem>>, vector<16xf32>,
        tpu.vector_store %arg9[%swap3A_172, %swap3A_173], %mul3A_171 {strides = array<i32>} : memref<80x128xf32, #tpu.memory_space<vmem>>, vector<16xf32>,
      }
      %scan3A_113 = arith.constant 80 : i32
      "tpu.region"() ({
        %run_scoped3A = tpu.sem_alloc : memref<!tpu.dma_semaphore, #tpu.memory_space<semaphore_mem>>
        %dma_start3A_114 = arith.constant 0 : i32
        %dma_start3A_115 = arith.constant 0 : i32
        %dma_start3A_116 = tpu.memref_slice %arg10[%dma_start3A_114, %dma_start3A_115] : memref<10240x128xf32, #tpu.memory_space<vmem_shared>> -> memref<10240x128xf32, #tpu.memory_space<vmem_shared>>
        tpu.enqueue_indirect_dma source(%arg9 : memref<80x128xf32, #tpu.memory_space<vmem>>) target(%dma_start3A_116 : memref<10240x128xf32, #tpu.memory_space<vmem_shared>>) offsets(%arg7 : memref<80xi32, #tpu.memory_space<vmem>>) semaphore(%run_scoped3A : memref<!tpu.dma_semaphore, #tpu.memory_space<semaphore_mem>>) {add = true}
        %dma_wait3A_117 = arith.constant 0 : i32
        %dma_wait3A_118 = arith.constant 0 : i32
        %dma_wait3A_119 = tpu.memref_slice %arg10[%dma_wait3A_117, %dma_wait3A_118] : memref<10240x128xf32, #tpu.memory_space<vmem_shared>> -> memref<10240x128xf32, #tpu.memory_space<vmem_shared>>
        tpu.wait_indirect_dma semaphore(%run_scoped3A : memref<!tpu.dma_semaphore, #tpu.memory_space<semaphore_mem>>) src(%arg9 : memref<80x128xf32, #tpu.memory_space<vmem>>) dst(%dma_wait3A_119 : memref<10240x128xf32, #tpu.memory_space<vmem_shared>>)
        tpu.yield
      }) : () -> ()
    }
    %scan3A_7 = arith.constant 250 : i32
    %barrier3A_8 = arith.constant 0 : index
    tpu.barrier barrier_id(%barrier3A_8)
    "tpu.region"() ({
      %run_scoped3A = tpu.sem_alloc : memref<!tpu.dma_semaphore, #tpu.memory_space<semaphore_mem>>
      %dma_start3A = arith.constant 0 : i32
      %dma_start3A_9 = tpu.memref_slice %arg5[%arg0, %mul3A_0, %dma_start3A] : memref<2x10240x128xf32, #tpu.memory_space<hbm>> -> memref<1x640x128xf32, #tpu.memory_space<hbm>>
      %dma_start3A_10 = tpu.memref_squeeze %dma_start3A_9 : memref<1x640x128xf32, #tpu.memory_space<hbm>> -> memref<640x128xf32, #tpu.memory_space<hbm>>
      %dma_start3A_11 = arith.constant 0 : i32
      %dma_start3A_12 = tpu.memref_slice %arg10[%mul3A_0, %dma_start3A_11] : memref<10240x128xf32, #tpu.memory_space<vmem_shared>> -> memref<640x128xf32, #tpu.memory_space<vmem_shared>>
      tpu.enqueue_dma source(%dma_start3A_12 : memref<640x128xf32, #tpu.memory_space<vmem_shared>>) target(%dma_start3A_10 : memref<640x128xf32, #tpu.memory_space<hbm>>) target_semaphore(%run_scoped3A : memref<!tpu.dma_semaphore, #tpu.memory_space<semaphore_mem>>)
      %dma_wait3A = arith.constant 0 : i32
      %dma_wait3A_13 = tpu.memref_slice %arg5[%arg0, %mul3A_0, %dma_wait3A] : memref<2x10240x128xf32, #tpu.memory_space<hbm>> -> memref<1x640x128xf32, #tpu.memory_space<hbm>>
      %dma_wait3A_14 = tpu.memref_squeeze %dma_wait3A_13 : memref<1x640x128xf32, #tpu.memory_space<hbm>> -> memref<640x128xf32, #tpu.memory_space<hbm>>
      %dma_wait3A_15 = arith.constant 0 : i32
      %dma_wait3A_16 = tpu.memref_slice %arg10[%mul3A_0, %dma_wait3A_15] : memref<10240x128xf32, #tpu.memory_space<vmem_shared>> -> memref<640x128xf32, #tpu.memory_space<vmem_shared>>
      tpu.wait_dma2 semaphore(%run_scoped3A : memref<!tpu.dma_semaphore, #tpu.memory_space<semaphore_mem>>) src(%dma_wait3A_16 : memref<640x128xf32, #tpu.memory_space<vmem_shared>>) dst(%dma_wait3A_14 : memref<640x128xf32, #tpu.memory_space<hbm>>)
      tpu.yield
    }) : () -> ()
    return
  }
}

module attributes {stable_mosaic.version = 14 : i64} {
  func.func @_tc_layer0(%arg0: i32, %arg1: memref<3xf32, #tpu.memory_space<smem>>, %arg2: memref<1000x128xf32, #tpu.memory_space<vmem>>, %arg3: memref<2x1000x128xf32, #tpu.memory_space<vmem>>, %arg4: memref<2x1000x128xf32, #tpu.memory_space<vmem>>, %arg5: memref<256x128xf32, #tpu.memory_space<vmem>>, %arg6: memref<1x256xf32, #tpu.memory_space<vmem>>, %arg7: memref<2x1000x128xf32, #tpu.memory_space<vmem>>) attributes {dimension_semantics = [#tpu.dimension_semantics<arbitrary>], iteration_bounds = array<i64: 10>, scalar_prefetch = 0 : i64, scratch_operands = 0 : i64, tpu.core_type = #tpu.core_type<tc>, window_params = [{transform_indices = @transform_0, window_bounds = array<i64: 3>}, {transform_indices = @transform_1, window_bounds = array<i64: 1000, 128>}, {transform_indices = @transform_2, window_bounds = array<i64: 2, 1000, 128>}, {transform_indices = @transform_3, window_bounds = array<i64: 2, 1000, 128>}, {pipeline_mode = #tpu.pipeline_mode<synchronous>, transform_indices = @transform_4, window_bounds = array<i64: 256, 128>}, {pipeline_mode = #tpu.pipeline_mode<synchronous>, transform_indices = @transform_5, window_bounds = array<i64: 1, 256>}, {transform_indices = @transform_6, window_bounds = array<i64: 2, 1000, 128>}]} {
    %get3A = arith.constant 0 : index
    %get3A_0 = arith.constant 0 : index
    %get3A_1 = arith.constant 0 : index
    %get3A_2 = vector.load %arg4[%get3A, %get3A_0, %get3A_1] : memref<2x1000x128xf32, #tpu.memory_space<vmem>>, vector<1x1000x1xf32>
    %get3A_3 = vector.shape_cast %get3A_2 : vector<1x1000x1xf32> to vector<1000x1xf32>
    %get3A_4 = arith.constant 1 : index
    %get3A_5 = arith.constant 0 : index
    %get3A_6 = arith.constant 0 : index
    %get3A_7 = vector.load %arg4[%get3A_4, %get3A_5, %get3A_6] : memref<2x1000x128xf32, #tpu.memory_space<vmem>>, vector<1x1000x1xf32>
    %get3A_8 = vector.shape_cast %get3A_7 : vector<1x1000x1xf32> to vector<1000x1xf32>
    %add3A = arith.addf %get3A_3, %get3A_8 : vector<1000x1xf32>
    %max3A = arith.constant 1.000000e+00 : f32
    %max3A_9 = vector.broadcast %max3A : f32 to vector<1000x1xf32>
    %max3A_10 = arith.maximumf %add3A, %max3A_9 : vector<1000x1xf32>
    %div3A = arith.constant 1.000000e+00 : f32
    %div3A_11 = vector.broadcast %div3A : f32 to vector<1000x1xf32>
    %div3A_12 = arith.divf %div3A_11, %max3A_10 : vector<1000x1xf32>
    %get3A_13 = arith.constant 0 : index
    %get3A_14 = arith.constant 0 : index
    %get3A_15 = arith.constant 0 : index
    %get3A_16 = vector.load %arg3[%get3A_13, %get3A_14, %get3A_15] : memref<2x1000x128xf32, #tpu.memory_space<vmem>>, vector<1x1000x128xf32>
    %get3A_17 = vector.shape_cast %get3A_16 : vector<1x1000x128xf32> to vector<1000x128xf32>
    %get3A_18 = arith.constant 1 : index
    %get3A_19 = arith.constant 0 : index
    %get3A_20 = arith.constant 0 : index
    %get3A_21 = vector.load %arg3[%get3A_18, %get3A_19, %get3A_20] : memref<2x1000x128xf32, #tpu.memory_space<vmem>>, vector<1x1000x128xf32>
    %get3A_22 = vector.shape_cast %get3A_21 : vector<1x1000x128xf32> to vector<1000x128xf32>
    %add3A_23 = arith.addf %get3A_17, %get3A_22 : vector<1000x128xf32>
    %mul3A = vector.broadcast %div3A_12 : vector<1000x1xf32> to vector<1000x128xf32>
    %mul3A_24 = arith.mulf %add3A_23, %mul3A : vector<1000x128xf32>
    %get3A_25 = arith.constant 0 : index
    %get3A_26 = memref.load %arg1[%get3A_25] : memref<3xf32, #tpu.memory_space<smem>>
    %add3A_27 = arith.constant 1.000000e+00 : f32
    %add3A_28 = arith.addf %add3A_27, %get3A_26 : f32
    %get3A_29 = arith.constant 0 : index
    %get3A_30 = arith.constant 0 : index
    %get3A_31 = vector.load %arg2[%get3A_29, %get3A_30] : memref<1000x128xf32, #tpu.memory_space<vmem>>, vector<1000x128xf32>
    %mul3A_32 = vector.broadcast %add3A_28 : f32 to vector<1000x128xf32>
    %mul3A_33 = arith.mulf %mul3A_32, %get3A_31 : vector<1000x128xf32>
    %add3A_34 = arith.addf %mul3A_33, %mul3A_24 : vector<1000x128xf32>
    %get3A_35 = arith.constant 0 : index
    %get3A_36 = arith.constant 0 : index
    %get3A_37 = vector.load %arg5[%get3A_35, %get3A_36] : memref<256x128xf32, #tpu.memory_space<vmem>>, vector<256x128xf32>
    %dot_general3A = arith.constant dense<0.000000e+00> : vector<1000x256xf32>
    %dot_general3A_38 = tpu.matmul %add3A_34, %get3A_37, %dot_general3A {dimension_numbers = #tpu.dot_dimension_numbers<[1], [1], [0], [0], [0, 0, 1, 0], [], []>, transpose_lhs_hint = false} : vector<1000x128xf32>, vector<256x128xf32>, vector<1000x256xf32> -> vector<1000x256xf32>
    %get3A_39 = arith.constant 0 : index
    %get3A_40 = arith.constant 0 : index
    %get3A_41 = vector.load %arg6[%get3A_39, %get3A_40] : memref<1x256xf32, #tpu.memory_space<vmem>>, vector<1x256xf32>
    %add3A_42 = vector.broadcast %get3A_41 : vector<1x256xf32> to vector<1000x256xf32>
    %add3A_43 = arith.addf %dot_general3A_38, %add3A_42 : vector<1000x256xf32>
    %max3A_44 = arith.constant 0.000000e+00 : f32
    %max3A_45 = vector.broadcast %max3A_44 : f32 to vector<1000x256xf32>
    %max3A_46 = arith.maximumf %add3A_43, %max3A_45 : vector<1000x256xf32>
    %slice3A = vector.extract_strided_slice %max3A_46 {offsets = [0, 0], sizes = [1000, 128], strides = [1, 1]} : vector<1000x256xf32> to vector<1000x128xf32>
    %swap3A = arith.constant 0 : index
    %swap3A_47 = arith.constant 0 : index
    %swap3A_48 = arith.constant 0 : index
    %swap3A_49 = vector.load %arg7[%swap3A, %swap3A_47, %swap3A_48] : memref<2x1000x128xf32, #tpu.memory_space<vmem>>, vector<1x1000x128xf32>
    %swap3A_50 = vector.shape_cast %swap3A_49 : vector<1x1000x128xf32> to vector<1000x128xf32>
    %swap3A_51 = vector.shape_cast %slice3A : vector<1000x128xf32> to vector<1x1000x128xf32>
    tpu.vector_store %arg7[%swap3A, %swap3A_47, %swap3A_48], %swap3A_51 {strides = array<i32>} : memref<2x1000x128xf32, #tpu.memory_space<vmem>>, vector<1x1000x128xf32>,
    %slice3A_52 = vector.extract_strided_slice %max3A_46 {offsets = [0, 128], sizes = [1000, 128], strides = [1, 1]} : vector<1000x256xf32> to vector<1000x128xf32>
    %swap3A_53 = arith.constant 1 : index
    %swap3A_54 = arith.constant 0 : index
    %swap3A_55 = arith.constant 0 : index
    %swap3A_56 = vector.load %arg7[%swap3A_53, %swap3A_54, %swap3A_55] : memref<2x1000x128xf32, #tpu.memory_space<vmem>>, vector<1x1000x128xf32>
    %swap3A_57 = vector.shape_cast %swap3A_56 : vector<1x1000x128xf32> to vector<1000x128xf32>
    %swap3A_58 = vector.shape_cast %slice3A_52 : vector<1000x128xf32> to vector<1x1000x128xf32>
    tpu.vector_store %arg7[%swap3A_53, %swap3A_54, %swap3A_55], %swap3A_58 {strides = array<i32>} : memref<2x1000x128xf32, #tpu.memory_space<vmem>>, vector<1x1000x128xf32>,
    return
  }
  func.func @transform_0(%arg0: i32) -> i32 {
    %c0_i32 = arith.constant 0 : i32
    %c0_i32_0 = arith.constant 0 : i32
    return %c0_i32 : i32
  }
  func.func @transform_1(%arg0: i32) -> (i32, i32) {
    %c0_i32 = arith.constant 0 : i32
    %c0_i32_0 = arith.constant 0 : i32
    return %arg0, %c0_i32 : i32, i32
  }
  func.func @transform_2(%arg0: i32) -> (i32, i32, i32) {
    %c0_i32 = arith.constant 0 : i32
    %c0_i32_0 = arith.constant 0 : i32
    %c0_i32_1 = arith.constant 0 : i32
    return %c0_i32, %arg0, %c0_i32_0 : i32, i32, i32
  }
  func.func @transform_3(%arg0: i32) -> (i32, i32, i32) {
    %c0_i32 = arith.constant 0 : i32
    %c0_i32_0 = arith.constant 0 : i32
    %c0_i32_1 = arith.constant 0 : i32
    return %c0_i32, %arg0, %c0_i32_0 : i32, i32, i32
  }
  func.func @transform_4(%arg0: i32) -> (i32, i32) {
    %c0_i32 = arith.constant 0 : i32
    %c0_i32_0 = arith.constant 0 : i32
    %c0_i32_1 = arith.constant 0 : i32
    return %c0_i32, %c0_i32_0 : i32, i32
  }
  func.func @transform_5(%arg0: i32) -> (i32, i32) {
    %c0_i32 = arith.constant 0 : i32
    %c0_i32_0 = arith.constant 0 : i32
    %c0_i32_1 = arith.constant 0 : i32
    return %c0_i32, %c0_i32_0 : i32, i32
  }
  func.func @transform_6(%arg0: i32) -> (i32, i32, i32) {
    %c0_i32 = arith.constant 0 : i32
    %c0_i32_0 = arith.constant 0 : i32
    %c0_i32_1 = arith.constant 0 : i32
    return %c0_i32, %arg0, %c0_i32_0 : i32, i32, i32
  }
}

module attributes {stable_mosaic.version = 14 : i64} {
  func.func @_tc_layer1(%arg0: i32, %arg1: memref<3xf32, #tpu.memory_space<smem>>, %arg2: memref<2x1000x128xf32, #tpu.memory_space<vmem>>, %arg3: memref<2x1000x128xf32, #tpu.memory_space<vmem>>, %arg4: memref<2x1000x128xf32, #tpu.memory_space<vmem>>, %arg5: memref<256x256xf32, #tpu.memory_space<vmem>>, %arg6: memref<1x256xf32, #tpu.memory_space<vmem>>, %arg7: memref<2x1000x128xf32, #tpu.memory_space<vmem>>) attributes {dimension_semantics = [#tpu.dimension_semantics<arbitrary>], iteration_bounds = array<i64: 10>, scalar_prefetch = 0 : i64, scratch_operands = 0 : i64, tpu.core_type = #tpu.core_type<tc>, window_params = [{transform_indices = @transform_0, window_bounds = array<i64: 3>}, {transform_indices = @transform_1, window_bounds = array<i64: 2, 1000, 128>}, {transform_indices = @transform_2, window_bounds = array<i64: 2, 1000, 128>}, {transform_indices = @transform_3, window_bounds = array<i64: 2, 1000, 128>}, {pipeline_mode = #tpu.pipeline_mode<synchronous>, transform_indices = @transform_4, window_bounds = array<i64: 256, 256>}, {pipeline_mode = #tpu.pipeline_mode<synchronous>, transform_indices = @transform_5, window_bounds = array<i64: 1, 256>}, {transform_indices = @transform_6, window_bounds = array<i64: 2, 1000, 128>}]} {
    %get3A = arith.constant 0 : index
    %get3A_0 = arith.constant 0 : index
    %get3A_1 = arith.constant 0 : index
    %get3A_2 = vector.load %arg4[%get3A, %get3A_0, %get3A_1] : memref<2x1000x128xf32, #tpu.memory_space<vmem>>, vector<1x1000x1xf32>
    %get3A_3 = vector.shape_cast %get3A_2 : vector<1x1000x1xf32> to vector<1000x1xf32>
    %get3A_4 = arith.constant 1 : index
    %get3A_5 = arith.constant 0 : index
    %get3A_6 = arith.constant 0 : index
    %get3A_7 = vector.load %arg4[%get3A_4, %get3A_5, %get3A_6] : memref<2x1000x128xf32, #tpu.memory_space<vmem>>, vector<1x1000x1xf32>
    %get3A_8 = vector.shape_cast %get3A_7 : vector<1x1000x1xf32> to vector<1000x1xf32>
    %add3A = arith.addf %get3A_3, %get3A_8 : vector<1000x1xf32>
    %max3A = arith.constant 1.000000e+00 : f32
    %max3A_9 = vector.broadcast %max3A : f32 to vector<1000x1xf32>
    %max3A_10 = arith.maximumf %add3A, %max3A_9 : vector<1000x1xf32>
    %div3A = arith.constant 1.000000e+00 : f32
    %div3A_11 = vector.broadcast %div3A : f32 to vector<1000x1xf32>
    %div3A_12 = arith.divf %div3A_11, %max3A_10 : vector<1000x1xf32>
    %get3A_13 = arith.constant 0 : index
    %get3A_14 = arith.constant 0 : index
    %get3A_15 = arith.constant 0 : index
    %get3A_16 = vector.load %arg2[%get3A_13, %get3A_14, %get3A_15] : memref<2x1000x128xf32, #tpu.memory_space<vmem>>, vector<1x1000x128xf32>
    %get3A_17 = vector.shape_cast %get3A_16 : vector<1x1000x128xf32> to vector<1000x128xf32>
    %get3A_18 = arith.constant 1 : index
    %get3A_19 = arith.constant 0 : index
    %get3A_20 = arith.constant 0 : index
    %get3A_21 = vector.load %arg2[%get3A_18, %get3A_19, %get3A_20] : memref<2x1000x128xf32, #tpu.memory_space<vmem>>, vector<1x1000x128xf32>
    %get3A_22 = vector.shape_cast %get3A_21 : vector<1x1000x128xf32> to vector<1000x128xf32>
    %concatenate3A = tpu.concatenate %get3A_17, %get3A_22 in 1 : vector<1000x128xf32>, vector<1000x128xf32> -> vector<1000x256xf32>
    %get3A_23 = arith.constant 0 : index
    %get3A_24 = arith.constant 0 : index
    %get3A_25 = arith.constant 0 : index
    %get3A_26 = vector.load %arg3[%get3A_23, %get3A_24, %get3A_25] : memref<2x1000x128xf32, #tpu.memory_space<vmem>>, vector<1x1000x128xf32>
    %get3A_27 = vector.shape_cast %get3A_26 : vector<1x1000x128xf32> to vector<1000x128xf32>
    %get3A_28 = arith.constant 1 : index
    %get3A_29 = arith.constant 0 : index
    %get3A_30 = arith.constant 0 : index
    %get3A_31 = vector.load %arg3[%get3A_28, %get3A_29, %get3A_30] : memref<2x1000x128xf32, #tpu.memory_space<vmem>>, vector<1x1000x128xf32>
    %get3A_32 = vector.shape_cast %get3A_31 : vector<1x1000x128xf32> to vector<1000x128xf32>
    %concatenate3A_33 = tpu.concatenate %get3A_27, %get3A_32 in 1 : vector<1000x128xf32>, vector<1000x128xf32> -> vector<1000x256xf32>
    %mul3A = vector.broadcast %div3A_12 : vector<1000x1xf32> to vector<1000x256xf32>
    %mul3A_34 = arith.mulf %concatenate3A_33, %mul3A : vector<1000x256xf32>
    %get3A_35 = arith.constant 1 : index
    %get3A_36 = memref.load %arg1[%get3A_35] : memref<3xf32, #tpu.memory_space<smem>>
    %add3A_37 = arith.constant 1.000000e+00 : f32
    %add3A_38 = arith.addf %add3A_37, %get3A_36 : f32
    %mul3A_39 = vector.broadcast %add3A_38 : f32 to vector<1000x256xf32>
    %mul3A_40 = arith.mulf %mul3A_39, %concatenate3A : vector<1000x256xf32>
    %add3A_41 = arith.addf %mul3A_40, %mul3A_34 : vector<1000x256xf32>
    %get3A_42 = arith.constant 0 : index
    %get3A_43 = arith.constant 0 : index
    %get3A_44 = vector.load %arg5[%get3A_42, %get3A_43] : memref<256x256xf32, #tpu.memory_space<vmem>>, vector<256x256xf32>
    %dot_general3A = arith.constant dense<0.000000e+00> : vector<1000x256xf32>
    %dot_general3A_45 = tpu.matmul %add3A_41, %get3A_44, %dot_general3A {dimension_numbers = #tpu.dot_dimension_numbers<[1], [1], [0], [0], [0, 0, 1, 0], [], []>, transpose_lhs_hint = false} : vector<1000x256xf32>, vector<256x256xf32>, vector<1000x256xf32> -> vector<1000x256xf32>
    %get3A_46 = arith.constant 0 : index
    %get3A_47 = arith.constant 0 : index
    %get3A_48 = vector.load %arg6[%get3A_46, %get3A_47] : memref<1x256xf32, #tpu.memory_space<vmem>>, vector<1x256xf32>
    %add3A_49 = vector.broadcast %get3A_48 : vector<1x256xf32> to vector<1000x256xf32>
    %add3A_50 = arith.addf %dot_general3A_45, %add3A_49 : vector<1000x256xf32>
    %max3A_51 = arith.constant 0.000000e+00 : f32
    %max3A_52 = vector.broadcast %max3A_51 : f32 to vector<1000x256xf32>
    %max3A_53 = arith.maximumf %add3A_50, %max3A_52 : vector<1000x256xf32>
    %slice3A = vector.extract_strided_slice %max3A_53 {offsets = [0, 0], sizes = [1000, 128], strides = [1, 1]} : vector<1000x256xf32> to vector<1000x128xf32>
    %swap3A = arith.constant 0 : index
    %swap3A_54 = arith.constant 0 : index
    %swap3A_55 = arith.constant 0 : index
    %swap3A_56 = vector.load %arg7[%swap3A, %swap3A_54, %swap3A_55] : memref<2x1000x128xf32, #tpu.memory_space<vmem>>, vector<1x1000x128xf32>
    %swap3A_57 = vector.shape_cast %swap3A_56 : vector<1x1000x128xf32> to vector<1000x128xf32>
    %swap3A_58 = vector.shape_cast %slice3A : vector<1000x128xf32> to vector<1x1000x128xf32>
    tpu.vector_store %arg7[%swap3A, %swap3A_54, %swap3A_55], %swap3A_58 {strides = array<i32>} : memref<2x1000x128xf32, #tpu.memory_space<vmem>>, vector<1x1000x128xf32>,
    %slice3A_59 = vector.extract_strided_slice %max3A_53 {offsets = [0, 128], sizes = [1000, 128], strides = [1, 1]} : vector<1000x256xf32> to vector<1000x128xf32>
    %swap3A_60 = arith.constant 1 : index
    %swap3A_61 = arith.constant 0 : index
    %swap3A_62 = arith.constant 0 : index
    %swap3A_63 = vector.load %arg7[%swap3A_60, %swap3A_61, %swap3A_62] : memref<2x1000x128xf32, #tpu.memory_space<vmem>>, vector<1x1000x128xf32>
    %swap3A_64 = vector.shape_cast %swap3A_63 : vector<1x1000x128xf32> to vector<1000x128xf32>
    %swap3A_65 = vector.shape_cast %slice3A_59 : vector<1000x128xf32> to vector<1x1000x128xf32>
    tpu.vector_store %arg7[%swap3A_60, %swap3A_61, %swap3A_62], %swap3A_65 {strides = array<i32>} : memref<2x1000x128xf32, #tpu.memory_space<vmem>>, vector<1x1000x128xf32>,
    return
  }
  func.func @transform_0(%arg0: i32) -> i32 {
    %c0_i32 = arith.constant 0 : i32
    %c0_i32_0 = arith.constant 0 : i32
    return %c0_i32 : i32
  }
  func.func @transform_1(%arg0: i32) -> (i32, i32, i32) {
    %c0_i32 = arith.constant 0 : i32
    %c0_i32_0 = arith.constant 0 : i32
    %c0_i32_1 = arith.constant 0 : i32
    return %c0_i32, %arg0, %c0_i32_0 : i32, i32, i32
  }
  func.func @transform_2(%arg0: i32) -> (i32, i32, i32) {
    %c0_i32 = arith.constant 0 : i32
    %c0_i32_0 = arith.constant 0 : i32
    %c0_i32_1 = arith.constant 0 : i32
    return %c0_i32, %arg0, %c0_i32_0 : i32, i32, i32
  }
  func.func @transform_3(%arg0: i32) -> (i32, i32, i32) {
    %c0_i32 = arith.constant 0 : i32
    %c0_i32_0 = arith.constant 0 : i32
    %c0_i32_1 = arith.constant 0 : i32
    return %c0_i32, %arg0, %c0_i32_0 : i32, i32, i32
  }
  func.func @transform_4(%arg0: i32) -> (i32, i32) {
    %c0_i32 = arith.constant 0 : i32
    %c0_i32_0 = arith.constant 0 : i32
    %c0_i32_1 = arith.constant 0 : i32
    return %c0_i32, %c0_i32_0 : i32, i32
  }
  func.func @transform_5(%arg0: i32) -> (i32, i32) {
    %c0_i32 = arith.constant 0 : i32
    %c0_i32_0 = arith.constant 0 : i32
    %c0_i32_1 = arith.constant 0 : i32
    return %c0_i32, %c0_i32_0 : i32, i32
  }
  func.func @transform_6(%arg0: i32) -> (i32, i32, i32) {
    %c0_i32 = arith.constant 0 : i32
    %c0_i32_0 = arith.constant 0 : i32
    %c0_i32_1 = arith.constant 0 : i32
    return %c0_i32, %arg0, %c0_i32_0 : i32, i32, i32
  }
}

module attributes {stable_mosaic.version = 14 : i64} {
  func.func @_tc_layer2(%arg0: i32, %arg1: memref<3xf32, #tpu.memory_space<smem>>, %arg2: memref<2x1000x128xf32, #tpu.memory_space<vmem>>, %arg3: memref<2x1000x128xf32, #tpu.memory_space<vmem>>, %arg4: memref<2x1000x128xf32, #tpu.memory_space<vmem>>, %arg5: memref<256x256xf32, #tpu.memory_space<vmem>>, %arg6: memref<1x256xf32, #tpu.memory_space<vmem>>, %arg7: memref<1000x256xf32, #tpu.memory_space<vmem>>) attributes {dimension_semantics = [#tpu.dimension_semantics<arbitrary>], iteration_bounds = array<i64: 10>, scalar_prefetch = 0 : i64, scratch_operands = 0 : i64, tpu.core_type = #tpu.core_type<tc>, window_params = [{transform_indices = @transform_0, window_bounds = array<i64: 3>}, {transform_indices = @transform_1, window_bounds = array<i64: 2, 1000, 128>}, {transform_indices = @transform_2, window_bounds = array<i64: 2, 1000, 128>}, {transform_indices = @transform_3, window_bounds = array<i64: 2, 1000, 128>}, {pipeline_mode = #tpu.pipeline_mode<synchronous>, transform_indices = @transform_4, window_bounds = array<i64: 256, 256>}, {pipeline_mode = #tpu.pipeline_mode<synchronous>, transform_indices = @transform_5, window_bounds = array<i64: 1, 256>}, {transform_indices = @transform_6, window_bounds = array<i64: 1000, 256>}]} {
    %get3A = arith.constant 0 : index
    %get3A_0 = arith.constant 0 : index
    %get3A_1 = arith.constant 0 : index
    %get3A_2 = vector.load %arg4[%get3A, %get3A_0, %get3A_1] : memref<2x1000x128xf32, #tpu.memory_space<vmem>>, vector<1x1000x1xf32>
    %get3A_3 = vector.shape_cast %get3A_2 : vector<1x1000x1xf32> to vector<1000x1xf32>
    %get3A_4 = arith.constant 1 : index
    %get3A_5 = arith.constant 0 : index
    %get3A_6 = arith.constant 0 : index
    %get3A_7 = vector.load %arg4[%get3A_4, %get3A_5, %get3A_6] : memref<2x1000x128xf32, #tpu.memory_space<vmem>>, vector<1x1000x1xf32>
    %get3A_8 = vector.shape_cast %get3A_7 : vector<1x1000x1xf32> to vector<1000x1xf32>
    %add3A = arith.addf %get3A_3, %get3A_8 : vector<1000x1xf32>
    %max3A = arith.constant 1.000000e+00 : f32
    %max3A_9 = vector.broadcast %max3A : f32 to vector<1000x1xf32>
    %max3A_10 = arith.maximumf %add3A, %max3A_9 : vector<1000x1xf32>
    %div3A = arith.constant 1.000000e+00 : f32
    %div3A_11 = vector.broadcast %div3A : f32 to vector<1000x1xf32>
    %div3A_12 = arith.divf %div3A_11, %max3A_10 : vector<1000x1xf32>
    %get3A_13 = arith.constant 0 : index
    %get3A_14 = arith.constant 0 : index
    %get3A_15 = arith.constant 0 : index
    %get3A_16 = vector.load %arg2[%get3A_13, %get3A_14, %get3A_15] : memref<2x1000x128xf32, #tpu.memory_space<vmem>>, vector<1x1000x128xf32>
    %get3A_17 = vector.shape_cast %get3A_16 : vector<1x1000x128xf32> to vector<1000x128xf32>
    %get3A_18 = arith.constant 1 : index
    %get3A_19 = arith.constant 0 : index
    %get3A_20 = arith.constant 0 : index
    %get3A_21 = vector.load %arg2[%get3A_18, %get3A_19, %get3A_20] : memref<2x1000x128xf32, #tpu.memory_space<vmem>>, vector<1x1000x128xf32>
    %get3A_22 = vector.shape_cast %get3A_21 : vector<1x1000x128xf32> to vector<1000x128xf32>
    %concatenate3A = tpu.concatenate %get3A_17, %get3A_22 in 1 : vector<1000x128xf32>, vector<1000x128xf32> -> vector<1000x256xf32>
    %get3A_23 = arith.constant 0 : index
    %get3A_24 = arith.constant 0 : index
    %get3A_25 = arith.constant 0 : index
    %get3A_26 = vector.load %arg3[%get3A_23, %get3A_24, %get3A_25] : memref<2x1000x128xf32, #tpu.memory_space<vmem>>, vector<1x1000x128xf32>
    %get3A_27 = vector.shape_cast %get3A_26 : vector<1x1000x128xf32> to vector<1000x128xf32>
    %get3A_28 = arith.constant 1 : index
    %get3A_29 = arith.constant 0 : index
    %get3A_30 = arith.constant 0 : index
    %get3A_31 = vector.load %arg3[%get3A_28, %get3A_29, %get3A_30] : memref<2x1000x128xf32, #tpu.memory_space<vmem>>, vector<1x1000x128xf32>
    %get3A_32 = vector.shape_cast %get3A_31 : vector<1x1000x128xf32> to vector<1000x128xf32>
    %concatenate3A_33 = tpu.concatenate %get3A_27, %get3A_32 in 1 : vector<1000x128xf32>, vector<1000x128xf32> -> vector<1000x256xf32>
    %mul3A = vector.broadcast %div3A_12 : vector<1000x1xf32> to vector<1000x256xf32>
    %mul3A_34 = arith.mulf %concatenate3A_33, %mul3A : vector<1000x256xf32>
    %get3A_35 = arith.constant 2 : index
    %get3A_36 = memref.load %arg1[%get3A_35] : memref<3xf32, #tpu.memory_space<smem>>
    %add3A_37 = arith.constant 1.000000e+00 : f32
    %add3A_38 = arith.addf %add3A_37, %get3A_36 : f32
    %mul3A_39 = vector.broadcast %add3A_38 : f32 to vector<1000x256xf32>
    %mul3A_40 = arith.mulf %mul3A_39, %concatenate3A : vector<1000x256xf32>
    %add3A_41 = arith.addf %mul3A_40, %mul3A_34 : vector<1000x256xf32>
    %get3A_42 = arith.constant 0 : index
    %get3A_43 = arith.constant 0 : index
    %get3A_44 = vector.load %arg5[%get3A_42, %get3A_43] : memref<256x256xf32, #tpu.memory_space<vmem>>, vector<256x256xf32>
    %dot_general3A = arith.constant dense<0.000000e+00> : vector<1000x256xf32>
    %dot_general3A_45 = tpu.matmul %add3A_41, %get3A_44, %dot_general3A {dimension_numbers = #tpu.dot_dimension_numbers<[1], [1], [0], [0], [0, 0, 1, 0], [], []>, transpose_lhs_hint = false} : vector<1000x256xf32>, vector<256x256xf32>, vector<1000x256xf32> -> vector<1000x256xf32>
    %get3A_46 = arith.constant 0 : index
    %get3A_47 = arith.constant 0 : index
    %get3A_48 = vector.load %arg6[%get3A_46, %get3A_47] : memref<1x256xf32, #tpu.memory_space<vmem>>, vector<1x256xf32>
    %add3A_49 = vector.broadcast %get3A_48 : vector<1x256xf32> to vector<1000x256xf32>
    %add3A_50 = arith.addf %dot_general3A_45, %add3A_49 : vector<1000x256xf32>
    %swap3A = arith.constant 0 : index
    %swap3A_51 = arith.constant 0 : index
    %swap3A_52 = vector.load %arg7[%swap3A, %swap3A_51] : memref<1000x256xf32, #tpu.memory_space<vmem>>, vector<1000x256xf32>
    tpu.vector_store %arg7[%swap3A, %swap3A_51], %add3A_50 {strides = array<i32>} : memref<1000x256xf32, #tpu.memory_space<vmem>>, vector<1000x256xf32>,
    %eq3A = arith.constant 0 : i32
    %eq3A_53 = arith.cmpi eq, %arg0, %eq3A : i32
    %convert_element_type3A = arith.extui %eq3A_53 : i1 to i32
    %cond3A = arith.constant 0 : i32
    %cond3A_54 = arith.cmpi ne, %convert_element_type3A, %cond3A : i32
    scf.if %cond3A_54 {
      %broadcast_in_dim3A = arith.constant 0.000000e+00 : f32
      %broadcast_in_dim3A_55 = vector.broadcast %broadcast_in_dim3A : f32 to vector<1x256xf32>
      %swap3A_56 = arith.constant 0 : index
      %swap3A_57 = arith.constant 0 : index
      %swap3A_58 = vector.load %arg7[%swap3A_56, %swap3A_57] : memref<1000x256xf32, #tpu.memory_space<vmem>>, vector<1x256xf32>
      tpu.vector_store %arg7[%swap3A_56, %swap3A_57], %broadcast_in_dim3A_55 {strides = array<i32>} : memref<1000x256xf32, #tpu.memory_space<vmem>>, vector<1x256xf32>,
    } else {
    }
    return
  }
  func.func @transform_0(%arg0: i32) -> i32 {
    %c0_i32 = arith.constant 0 : i32
    %c0_i32_0 = arith.constant 0 : i32
    return %c0_i32 : i32
  }
  func.func @transform_1(%arg0: i32) -> (i32, i32, i32) {
    %c0_i32 = arith.constant 0 : i32
    %c0_i32_0 = arith.constant 0 : i32
    %c0_i32_1 = arith.constant 0 : i32
    return %c0_i32, %arg0, %c0_i32_0 : i32, i32, i32
  }
  func.func @transform_2(%arg0: i32) -> (i32, i32, i32) {
    %c0_i32 = arith.constant 0 : i32
    %c0_i32_0 = arith.constant 0 : i32
    %c0_i32_1 = arith.constant 0 : i32
    return %c0_i32, %arg0, %c0_i32_0 : i32, i32, i32
  }
  func.func @transform_3(%arg0: i32) -> (i32, i32, i32) {
    %c0_i32 = arith.constant 0 : i32
    %c0_i32_0 = arith.constant 0 : i32
    %c0_i32_1 = arith.constant 0 : i32
    return %c0_i32, %arg0, %c0_i32_0 : i32, i32, i32
  }
  func.func @transform_4(%arg0: i32) -> (i32, i32) {
    %c0_i32 = arith.constant 0 : i32
    %c0_i32_0 = arith.constant 0 : i32
    %c0_i32_1 = arith.constant 0 : i32
    return %c0_i32, %c0_i32_0 : i32, i32
  }
  func.func @transform_5(%arg0: i32) -> (i32, i32) {
    %c0_i32 = arith.constant 0 : i32
    %c0_i32_0 = arith.constant 0 : i32
    %c0_i32_1 = arith.constant 0 : i32
    return %c0_i32, %c0_i32_0 : i32, i32
  }
  func.func @transform_6(%arg0: i32) -> (i32, i32) {
    %c0_i32 = arith.constant 0 : i32
    %c0_i32_0 = arith.constant 0 : i32
    return %arg0, %c0_i32 : i32, i32
  }
}

</mosaic_0001>

<sc_bundles>
// kernel: kernel.11.cloned.1.call-start
scs
__scs_entry_jumppad:
0x0: {  	(pc) =	sbr.rel $0x88, $3  }
0x1: {  	(tag) =	ssettag $0x0;
	lr =	simm.s32 $0x1  }
0x2: {  	[smem:$0x3F99] =	sst lr;
	_ =	strace $0xD0000000  }
0x3: {  	_ = 	snop  }
0x4: {  	_ = 	snop  }
0x5: {  	_ = 	snop  }
0x6: {  	_ = 	snop  }
0x7: {  	_ = 	snop  }
__scs_overlays_trampoline_lowered:
0x8: {  	[smem:$0x3FA8] =	sst s0  }
0x9: {  	[smem:$0x3FA9] =	sst s1  }
0xa: {  	[smem:$0x3FAA] =	sst s2  }
0xb: {  	[smem:$0x3FAB] =	sst s3  }
0xc: {  	[smem:$0x3FAC] =	sst s4  }
0xd: {  	[smem:$0x3FAD] =	sst s5  }
0xe: {  	[smem:$0x3FAE] =	sst s6  }
0xf: {  	[smem:$0x3FAF] =	sst s7  }
0x10: {  	[smem:$0x3FB0] =	sst s8  }
0x11: {  	[smem:$0x3FB1] =	sst s9;
	s0 =	simm.s32 @!p0 $0x0  }
0x12: {  	s1 =	sld [smem:$0x3F97];
	s0 =	simm.s32 @p0 $0x1  }
0x13: {  	[smem:$0x3FB2] =	sst s0;
	s0 =	simm.s32 @!p1 $0x0  }
0x14: {  	s2 =	sld [smem:$0x3F96];
	s0 =	simm.s32 @p1 $0x1  }
0x15: {  	[smem:$0x3FB3] =	sst s0;
	s0 =	simm.s32 @!p2 $0x0  }
0x16: {  	s3 =	sld [smem:$0x3FDB];
	s0 =	simm.s32 @p2 $0x1  }
0x17: {  	s4 =	simm.s32 $0x1BF5;
	[smem:$0x3FB5] =	sst s0  }
0x18: {  	s0 =	sld [smem:$0x3F98];
	_ =	swait.ge [sflag:s4], $0x0  }
0x19: {  	s7 =	sld [smem:$0x3F99]  }
0x1a: {  	s8 =	sadd.s32 $0xFFFFE003, lr  }
0x1b: {  	s9 =	sadd.s32 $0xFFFFFEF7, lr;
	s5 =	simm.s32 $0xFFFFFFFF;
	p2 =	slt.u32 s8, $0xFFFFF086  }
0x1c: {  	p1 =	slt.u32 s9, $0xF7A;
	s5 =	simm.s32 @!p2 $0x0  }
0x1d: {  	s5 =	simm.s32 @p1 $0x1;
	p0 =	seq.s32 s7, s2  }
0x1e: {  	s7 =	smul.u32 @!p0 $0xF7A, s2;
	p2 =	seq.s32 @!p0 s5, $0x0  }
0x1f: {  	s9 =	smul.u32 $0xF7A, s1;
	s8 =	simm.s32 @!p0 $0x1BF5;
	p2 =	por !p2, p0  }
0x20: {  	[sflag:s8] =	ssyncset.s32 @!p0 $0xFFFFF086;
	s6 =	sadd.s32 @!p0 s3, s7;
	s7 =	simm.s32 @!p0 $0x108  }
0x21: {  	s3 =	sadd.s32 s3, s9;
	s6 =	sadd.s32 @!p0 $0x88, s6;
	s7 =	simm.s32 @p2 $0x1082  }
0x22: {  	[simem:s7], [sflag:s8] =	dma.local @!p0 [hbm:s6], $0xF7A  }
0x23: {  	s9 =	sor.u32 $0xD0000000, s2;
	s6 =	simm.s32 $0x108;
	_ =	swait.ge @!p0 [sflag:s8], $0x0  }
0x24: {  	s3 =	sadd.s32 $0x88, s3;
	s6 =	simm.s32 @!p1 $0x1082;
	[sflag:s4] =	ssyncset.s32 $0xFFFFF086  }
0x25: {  	[simem:s6], [sflag:s4] =	dma.local [hbm:s3], $0xF7A  }
0x26: {  	[smem:$0x3F99] =	sst s1;
	(tag) =	ssettag s2;
	_ =	strace s9  }
0x27: {  	s1 =	sld [smem:$0x3FA9]  }
0x28: {  	s2 =	sld [smem:$0x3FAA]  }
0x29: {  	s4 =	sld [smem:$0x3FAC]  }
0x2a: {  	p0 =	seq.s32 s5, $0x0;
	s5 =	sld [smem:$0x3FAD]  }
0x2b: {  	s6 =	sld [smem:$0x3FAE]  }
0x2c: {  	s7 =	sld [smem:$0x3FAF]  }
0x2d: {  	s3 =	simm.s32 $0x108;
	s8 =	sld [smem:$0x3FB0]  }
0x2e: {  	s3 =	simm.s32 @!p0 $0x1082;
	s9 =	sld [smem:$0x3FB1]  }
0x2f: {  	lr =	sadd.s32 s0, s3;
	s0 =	sld [smem:$0x3FA8]  }
0x30: {  	s3 =	sld [smem:$0x3FAB]  }
0x31: {  	[smem:$0x3FB4] =	sst s10  }
0x32: {  	s10 =	sld [smem:$0x3FB2];
	_ =	sdelay $0x3  }
0x33: {  	p0 =	seq.s32 s10, $0x1;
	s10 =	sld [smem:$0x3FB4];
	_ =	sdelay $0x3  }
0x34: {  	[smem:$0x3FB4] =	sst s10  }
0x35: {  	s10 =	sld [smem:$0x3FB3];
	_ =	sdelay $0x3  }
0x36: {  	p1 =	seq.s32 s10, $0x1;
	s10 =	sld [smem:$0x3FB4];
	_ =	sdelay $0x3  }
0x37: {  	[smem:$0x3FB4] =	sst s10  }
0x38: {  	s10 =	sld [smem:$0x3FB5]  }
0x39: {  	_ = 	snop;
	(pc) =	sbr.ind lr, $3  }
0x3a: {  	_ = 	snop  }
0x3b: {  	_ = 	snop  }
0x3c: {  	p2 =	seq.s32 s10, $0x1;
	s10 =	sld [smem:$0x3FB4]  }
0x3d: {  	_ =	shalt  }
0x3e: {  	_ =	shalt  }
0x3f: {  	_ =	shalt  }
0x40: {  	_ =	shalt  }
0x41: {  	_ =	shalt  }
0x42: {  	_ =	shalt  }
0x43: {  	_ =	shalt  }
0x44: {  	_ =	shalt  }
0x45: {  	_ =	shalt  }
0x46: {  	_ =	shalt  }
0x47: {  	_ =	shalt  }
0x48: {  	_ =	shalt  }
0x49: {  	_ =	shalt  }
0x4a: {  	_ =	shalt  }
0x4b: {  	_ =	shalt  }
0x4c: {  	_ =	shalt  }
0x4d: {  	_ =	shalt  }
0x4e: {  	_ =	shalt  }
0x4f: {  	_ =	shalt  }
0x50: {  	_ =	shalt  }
0x51: {  	_ =	shalt  }
0x52: {  	_ =	shalt  }
0x53: {  	_ =	shalt  }
0x54: {  	_ =	shalt  }
0x55: {  	_ =	shalt  }
0x56: {  	_ =	shalt  }
0x57: {  	_ =	shalt  }
0x58: {  	_ =	shalt  }
0x59: {  	_ =	shalt  }
0x5a: {  	_ =	shalt  }
0x5b: {  	_ =	shalt  }
0x5c: {  	_ =	shalt  }
0x5d: {  	_ =	shalt  }
0x5e: {  	_ =	shalt  }
0x5f: {  	_ =	shalt  }
0x60: {  	_ =	shalt  }
0x61: {  	_ =	shalt  }
0x62: {  	_ =	shalt  }
0x63: {  	_ =	shalt  }
0x64: {  	_ =	shalt  }
0x65: {  	_ =	shalt  }
0x66: {  	_ =	shalt  }
0x67: {  	_ =	shalt  }
0x68: {  	_ =	shalt  }
0x69: {  	_ =	shalt  }
0x6a: {  	_ =	shalt  }
0x6b: {  	_ =	shalt  }
0x6c: {  	_ =	shalt  }
0x6d: {  	_ =	shalt  }
0x6e: {  	_ =	shalt  }
0x6f: {  	_ =	shalt  }
0x70: {  	_ =	shalt  }
0x71: {  	_ =	shalt  }
0x72: {  	_ =	shalt  }
0x73: {  	_ =	shalt  }
0x74: {  	_ =	shalt  }
0x75: {  	_ =	shalt  }
0x76: {  	_ =	shalt  }
0x77: {  	_ =	shalt  }
0x78: {  	_ =	shalt  }
0x79: {  	_ =	shalt  }
0x7a: {  	_ =	shalt  }
0x7b: {  	_ =	shalt  }
0x7c: {  	_ =	shalt  }
0x7d: {  	_ =	shalt  }
0x7e: {  	_ =	shalt  }
0x7f: {  	_ =	shalt  }
0x80: {  	_ =	shalt  }
0x81: {  	_ =	shalt  }
0x82: {  	_ =	shalt  }
0x83: {  	_ =	shalt  }
0x84: {  	_ =	shalt  }
0x85: {  	_ =	shalt  }
0x86: {  	_ =	shalt  }
0x87: {  	_ =	shalt  }
.Lfunc_end0:
.L_simem_size_0:
called_computation.1_lowered:
.L_overlay_start_0:
0x88: {  	s2 =	sld [smem:$0x3FD9]  }
0x89: {  	s3 =	sld [smem:$0x3FFE];
	_ =	sdelay $0x1  }
0x8a: {  	s1 =	srdreg.scid  }
0x8b: {  	s0 =	sand.u32 $0x1, s1  }
0x8c: {  	s17 =	sshll.u32 s0, $0xA;
	s2 =	sadd.s32 s3, s2  }
0x8d: {  	s2 =	sadd.s32 s2, s17  }
0x8e: {  	[smem:$0x3FC0] =	sst s2  }
0x8f: {  	_ = 	snop  }
0x90: {  	s2 =	sld [smem:$0x3FD0];
	(tm) =	ssettm $0x1  }
0x91: {  	s18 =	sld [smem:$0x3FFB];
	_ =	sdelay $0x3  }
0x92: {  	_ =	strace s18  }
0x93: {  	s3 =	sld [smem:$0x3FFC];
	_ =	sdelay $0x3  }
0x94: {  	_ =	strace s3  }
0x95: {  	s3 =	sld [smem:$0x3FFD];
	_ =	sdelay $0x3  }
0x96: {  	_ =	strace s3  }
0x97: {  	_ =	strace $0x8FFFFFFF  }
0x98: {  	s19 =	sld [smem:$0x3FDB];
	_ =	sdelay $0x1  }
0x99: {  	s4 =	simm.s32 $_scs_section_size  }
0x9a: {  	s5 =	simm.s32 $_size__tile_overlayer_lowered;
	s6 =	simm.s32 $_tile_overlayer_lowered  }
0x9b: {  	s22 =	simm.s32 $0x1BFF;
	s21 =	sshll.u32 s6, $0x1;
	s3 =	sadd.s32 s4, s19  }
0x9c: {  	s7 =	simm.s32 $0x0;
	s20 =	sshll.u32 s5, $0x1;
	s5 =	sadd.s32 s21, s3  }
0x9d: {  	[timem:s7], [sflag:s22] =	dma.local [hbm:s5], s20  }
0x9e: {  	_ =	swait.ge [sflag:s22], s20  }
0x9f: {  	s4 =	ssub.s32 $0x0, s20;
	[sflag:s22] =	ssyncset.done $0x0  }
0xa0: {  	[sflag:s22] =	ssyncadd.s32 s4;
	_ =	sdelay $0x1  }
0xa1: {  	s23 =	simm.s32 $0x1B8B  }
0xa2: {  	_ =	swait.ge [sflag:s23], $0x1  }
0xa3: {  	[sflag:s23] =	ssyncset.done $0x0  }
0xa4: {  	s25 =	simm.s32 $0x1B8E;
	s24 =	sld [smem:$0x3FFE];
	[sflag:s23] =	ssyncadd.s32 $0xFFFFFFFF  }
0xa5: {  	s26 =	simm.s32 $execute0_lowered;
	[smem:$0x3FD2] =	sst s25  }
0xa6: {  	s5 =	sshll.u32 s26, $0x1;
	_ =	strace $0x80000049;
	[dreg:$0x1] =	wrdreg $0xFFFFFFFF  }
0xa7: {  	s28 =	simm.s32 $_size_execute0_lowered;
	s3 =	sadd.s32 s3, s5;
	[dreg:$0x0] =	wrdreg $0x0  }
0xa8: {  	s5 =	sshll.u32 s28, $0x1;
	[dreg:$0x2] =	wrdreg s3  }
0xa9: {  	[dreg:$0x3] =	wrdreg s5  }
0xaa: {  	[dreg:$0x4] =	wrdreg $0xC0  }
0xab: {  	_ =	task [dreg:s7], $0x5FFFF  }
0xac: {  	[dreg:$0x1] =	wrdreg $0xFFFFFFFF  }
0xad: {  	[dreg:$0x0] =	wrdreg $0x60  }
0xae: {  	[dreg:$0x2] =	wrdreg s2  }
0xaf: {  	[dreg:$0x3] =	wrdreg s24  }
0xb0: {  	[dreg:$0x4] =	wrdreg $0x2A800  }
0xb1: {  	[dreg:$0x5] =	wrdreg $0x9  }
0xb2: {  	_ =	task.clear_ibuf [dreg:s7], $0x6FFFF;
	_ =	strace $0x90000049  }
0xb3: {  	s29 =	simm.s32 $0x9;
	_ =	strace $0x8000004B  }
0xb4: {  	_ =	swait.ge [sflag:s29], $0x1  }
0xb5: {  	[sflag:s29] =	ssyncadd.s32 $0xFFFFFFFF  }
0xb6: {  	_ =	strace $0x9000004B  }
0xb7: {  	_ =	sfence  }
0xb8: {  	s30 =	sld [smem:$0x0];
	_ =	sdelay $0x2  }
0xb9: {  	s31 =	sshll.u32 s1, $0xD;
	s1 =	sshrl.u32 s1, $0x2  }
0xba: {  	s3 =	sand.u32 $0x4000, s31;
	s1 =	sadd.s32 s1, s30  }
0xbb: {  	s0 =	sor.u32 s3, s0;
	s1 =	sshll.u32 s1, $0x11  }
0xbc: {  	s0 =	sor.u32 s1, s0  }
0xbd: {  	s0 =	sadd.s32 $0x8F2B, s0  }
0xbe: {  	[sflag:s0] =	ssyncadd.remote.s32 $0x1  }
0xbf: {  	_ =	sfence.sel $0xFFFF  }
0xc0: {  	[dreg:$0x0] =	wrdreg $0xFFFFFFFF;
	(pc) =	sbr.abs _section_cstart, $3  }
0xc1: {  	[dreg:$0x1] =	wrdreg $0xFFFFFFFF  }
0xc2: {  	_ =	task.clear_ibuf [dreg:s7], $0x2FFFF;
	_ =	strace $0x9FFFFFFF  }
0xc3: {  	(tm) =	ssettm $0x7FFFFFFF  }
tec
execute0_lowered:
.L_overlay_start_1:
0x0: {  	(tag) =	ssettag $0x1  }
0x1: {  	s2 =	rddreg [dreg:$0x0]  }
0x2: {  	s6 =	rddreg [dreg:$0x1]  }
0x3: {  	s3 =	rddreg [dreg:$0x2]  }
0x4: {  	s0 =	rddreg [dreg:$0x3];
	s1 =	stileid.u32  }
0x5: {  	s5 =	srdreg.scid;
	s4 =	simm.s32 $0x0;
	s15 =	simm.s32 $0x280  }
0x6: {  	s16 =	simm.s32 $0x1;
	s17 =	simm.s32 $0x80;
	s18 =	simm.s32 $0x0  }
0x7: {  	v0 =	vlaneseq.u32;
	s7 =	smul.u32 $0x14000, s1;
	s13 =	sand.u32 $0x1, s5;
	[smem:$0x7FF] =	sst s4  }
0x8: {  	s5 =	sadd.s32 $0x4E5C00, s6;
	s10 =	smul.u32 $0x50000, s1;
	v9 =	vmul.u32 $0x4, v0;
	s31 =	sshll.u32 s1, $0x6  }
0x9: {  	s8 =	smul.u32 $0x140000, s13;
	_ =	strace $0x8000004A;
	s29 =	ssub.s32 $0x2, s13  }
0xa: {  	s9 =	sshrl.u32 s7, $0x3;
	s11 =	sshrl.u32 s29, $0x1;
	s30 =	sshrl.u32 s10, $0x2;
	v0 =	vor.u32 s13, v9;
	v1 =	vor.u32 $0x40, v9;
	v2 =	vor.u32 $0x80, v9  }
0xb: {  	v3 =	vor.u32 $0xC0, v9;
	v4 =	vor.u32 $0x100, v9;
	s7 =	sadd.s32 s7, s8;
	s9 =	sadd.s32 s9, s6;
	s11 =	ssub.s32 s29, s11;
	v1 =	vor.u32 s13, v1  }
0xc: {  	s14 =	sadd.s32 s30, s3;
	s8 =	smul.u32 $0x4E20, s1;
	v2 =	vor.u32 s13, v2;
	v3 =	vor.u32 s13, v3;
	v4 =	vor.u32 s13, v4;
	s13 =	simm.s32 $0x100  }
0xd: {  	s7 =	sshrl.u32 s7, $0x3;
	s10 =	smax.u32 s11, $0x1;
	s11 =	sshrl.u32 s14, $0x3  }
0xe: {  	v5 =	vor.u32 $0x2, v9;
	v6 =	vor.u32 $0x42, v9;
	s14 =	simm.s32 $0x50;
	s12 =	sadd.s32 s7, s6;
	s6 =	sadd.s32 $0x3C00, s9  }
0xf: {  	v7 =	vor.u32 $0x82, v9;
	v8 =	vor.u32 $0xC2, v9;
	v9 =	vor.u32 $0x102, v9;
	s7 =	sor.u32 $0x1C02, s31;
	s9 =	sadd.s32 $0x2BC00, s12;
	s12 =	simm.s32 $0x2  }
.LBB2_1:
0x10: {  	[spmem:s11], [sflag:s7] =	dma.local [hbm:s6], $0x2800  }
0x11: {  	_ =	swait.ge [sflag:s12], $0x2800  }
0x12: {  	[sflag:s12] =	ssyncset.done $0x0  }
0x13: {  	[sflag:s12] =	ssyncadd.s32 $0xFFFFD800  }
0x14: {  	s19 =	simm.s32 $0x0;
	[bflag:$0x0] =	sbarrier.arrive $0xFFFF  }
.LBB2_2:
0x15: {  	s20 =	smul.u32 $0x50, s19;
	_ =	sdelay $0x1  }
0x16: {  	s20 =	sadd.s32 s8, s20  }
0x17: {  	s20 =	sshrl.u32 s20, $0x1  }
0x18: {  	s20 =	sadd.s32 s5, s20  }
0x19: {  	[tilespmem:s13], [sflag:$0x2] =	stream.linear.gather [hbm4b:s20+s4], $0x140, $0x38;
	[tilespmem:$0x16A80] =	vst v63  }
0x1a: {  	_ =	swait.ge [sflag:s12], $0x140  }
0x1b: {  	[sflag:s12] =	ssyncset.done $0x0  }
0x1c: {  	[sflag:s12] =	ssyncadd.s32 $0xFFFFFEC0  }
0x1d: {  	v10 =	vld.idx.msk [tilespmem:v0+s13+$0x0], $0xffff;
	_ =	sdelay $0x4  }
0x1e: {  	[tilespmem:$0x0] =	vst v10  }
0x1f: {  	v10 =	vld.idx.msk [tilespmem:v1+s13+$0x0], $0xffff;
	_ =	sdelay $0x4  }
0x20: {  	[tilespmem:$0x10] =	vst v10  }
0x21: {  	v10 =	vld.idx.msk [tilespmem:v2+s13+$0x0], $0xffff;
	_ =	sdelay $0x4  }
0x22: {  	[tilespmem:$0x20] =	vst v10  }
0x23: {  	v10 =	vld.idx.msk [tilespmem:v3+s13+$0x0], $0xffff;
	_ =	sdelay $0x4  }
0x24: {  	[tilespmem:$0x30] =	vst v10  }
0x25: {  	v10 =	vld.idx.msk [tilespmem:v4+s13+$0x0], $0xffff;
	_ =	sdelay $0x4  }
0x26: {  	[tilespmem:$0x40] =	vst v10  }
0x27: {  	v10 =	vld.idx.msk [tilespmem:v5+s13+$0x0], $0xffff;
	_ =	sdelay $0x4  }
0x28: {  	[tilespmem:$0x80] =	vst v10  }
0x29: {  	v10 =	vld.idx.msk [tilespmem:v6+s13+$0x0], $0xffff;
	_ =	sdelay $0x4  }
0x2a: {  	[tilespmem:$0x90] =	vst v10  }
0x2b: {  	v10 =	vld.idx.msk [tilespmem:v7+s13+$0x0], $0xffff;
	_ =	sdelay $0x4  }
0x2c: {  	[tilespmem:$0xA0] =	vst v10  }
0x2d: {  	v10 =	vld.idx.msk [tilespmem:v8+s13+$0x0], $0xffff;
	_ =	sdelay $0x4  }
0x2e: {  	[tilespmem:$0xB0] =	vst v10  }
0x2f: {  	v10 =	vld.idx.msk [tilespmem:v9+s13+$0x0], $0xffff;
	_ =	sdelay $0x4  }
0x30: {  	[tilespmem:$0xC0] =	vst v10  }
0x31: {  	[tilespmem:s15], [sflag:$0x1] =	stream.indirect.gather [hbm4b:s2+s14], $0x80, s4, s14, $0xb8;
	[tilespmem:$0x16A80] =	vst v63  }
0x32: {  	s31 =	simm.s32 $0x3;
	_ =	swait.ge [sflag:s16], $0x2800  }
0x33: {  	v10 =	vmov s31;
	[sflag:s16] =	ssyncset.done $0x0  }
0x34: {  	s20 =	simm.s32 $0x2C0;
	[sflag:s16] =	ssyncadd.s32 $0xFFFFD800  }
0x35: {  	v14 =	vld [tilespmem:s20+$0x30]  }
0x36: {  	v17 =	vld [tilespmem:s20+$0x10]  }
0x37: {  	v15 =	vld [tilespmem:s20+$0xFFFFFFC0]  }
0x38: {  	v11 =	vld.idx.msk [tilespmem:v10+s13+$0x0], $0xffff  }
0x39: {  	v19 =	vld [tilespmem:s20+$0xFFFFFFE0]  }
0x3a: {  	v10 =	vld [tilespmem:s20+$0xFFFFFFF0]  }
0x3b: {  	v12 =	vld [tilespmem:s20+$0x20]  }
0x3c: {  	v13 =	vld [tilespmem:s20+$0xFFFFFFD0]  }
0x3d: {  	v18 =	vmul.f32 v11, v14;
	v14 =	vld [tilespmem:s20+$0x0]  }
0x3e: {  	v16 =	vmul.f32 v11, v15  }
0x3f: {  	s21 =	simm.s32 $0x7;
	s22 =	simm.s32 $0x2C0;
	v15 =	vmul.f32 v11, v19;
	v17 =	vmul.f32 v11, v17  }
.LBB2_3:
0x40: {  	p0 =	sne.s32 s21, $0x13F  }
0x41: {  	v13 =	vmul.f32 v11, v13;
	v12 =	vmul.f32 v11, v12;
	[tilespmem:s20+$0x30] =	vst v18;
	s22 =	sadd.s32 $0x80, s22;
	s23 =	smov.u32 s21;
	s21 =	sadd.s32 $0x4, s21  }
0x42: {  	[tilespmem:s20+$0xFFFFFFC0] =	vst v16;
	v16 =	vmul.f32 v11, v10;
	v11 =	vmul.f32 v11, v14  }
0x43: {  	[tilespmem:s20+$0x10] =	vst v17  }
0x44: {  	v14 =	vmov s23;
	[tilespmem:s20+$0xFFFFFFE0] =	vst v15  }
0x45: {  	v10 =	vld [tilespmem:s22+$0xFFFFFFF0];
	[tilespmem:s20+$0xFFFFFFF0] =	vst v16  }
0x46: {  	v15 =	vld [tilespmem:s22+$0x30];
	[tilespmem:s20+$0x0] =	vst v11  }
0x47: {  	v17 =	vld [tilespmem:s22+$0x10];
	[tilespmem:s20+$0x20] =	vst v12  }
0x48: {  	v16 =	vld [tilespmem:s22+$0xFFFFFFC0];
	[tilespmem:s20+$0xFFFFFFD0] =	vst v13;
	s20 =	smov.u32 s22  }
0x49: {  	v11 =	vld.idx.msk [tilespmem:v14+s13+$0x0], $0xffff  }
0x4a: {  	v19 =	vld [tilespmem:s22+$0xFFFFFFE0]  }
0x4b: {  	v12 =	vld [tilespmem:s22+$0x20]  }
.Ltmp0:
0x4c: {  	v13 =	vld [tilespmem:s22+$0xFFFFFFD0];
	(pc) =	sbr.rel @p0 .LBB2_3-.Ltmp0, $3  }
0x4d: {  	v14 =	vld [tilespmem:s22+$0x0];
	_ =	sdelay $0x1  }
0x4e: {  	v16 =	vmul.f32 v11, v16;
	v18 =	vmul.f32 v11, v15  }
0x4f: {  	v17 =	vmul.f32 v11, v17;
	v15 =	vmul.f32 v11, v19  }
0x50: {  	[tilespmem:s20+$0x30] =	vst v18  }
0x51: {  	[tilespmem:s20+$0xFFFFFFC0] =	vst v16  }
0x52: {  	v10 =	vmul.f32 v11, v10;
	[tilespmem:s20+$0x10] =	vst v17  }
0x53: {  	v12 =	vmul.f32 v11, v12;
	[tilespmem:s20+$0xFFFFFFE0] =	vst v15  }
0x54: {  	v14 =	vmul.f32 v11, v14;
	[tilespmem:s20+$0xFFFFFFF0] =	vst v10  }
0x55: {  	s19 =	sadd.s32 $0x1, s19;
	v10 =	vmul.f32 v11, v13;
	[tilespmem:s20+$0x20] =	vst v12  }
0x56: {  	p0 =	sne.s32 s19, $0xFA;
	[tilespmem:s20+$0x0] =	vst v14  }
.Ltmp1:
0x57: {  	[tilespmem:s20+$0xFFFFFFD0] =	vst v10;
	(pc) =	sbr.rel @p0 .LBB2_2-.Ltmp1, $4  }
0x58: {  	[spmem:s3] =	stream.indirect.scatter.add.f32 [tilespmem:s15], [sflag:$0x2], $0x80, s17, s14, $0xb8;
	[tilespmem:$0x16A80] =	vst v63  }
0x59: {  	_ =	swait.ge [sflag:s12], $0x2800  }
0x5a: {  	[sflag:s12] =	ssyncset.done $0x0  }
0x5b: {  	[sflag:s12] =	ssyncadd.s32 $0xFFFFD800  }
0x5c: {  	s18 =	sadd.s32 $0x1, s18  }
0x5d: {  	p0 =	sne.s32 s18, s10  }
.Ltmp2:
0x5e: {  	[bflag:$0x0] =	sbarrier.arrive $0xFFFF;
	(pc) =	sbr.rel @p0 .LBB2_1-.Ltmp2, $4  }
0x5f: {  	[hbm:s9], [sflag:s7] =	dma.local [spmem:s11], $0x2800  }
0x60: {  	_ =	swait.ge [sflag:s12], $0x2800  }
0x61: {  	[sflag:s12] =	ssyncset.done $0x0  }
0x62: {  	[sflag:s12] =	ssyncadd.s32 $0xFFFFD800  }
0x63: {  	_ =	sfence.sel $0x180000  }
0x64: {  	[bflag:$0x0] =	sbarrier.arrive $0xFFFF  }
0x65: {  	p0 =	sne.s32 s1, $0x0;
	_ =	strace $0x9000004A  }
0x66: {  	s0 =	sadd.s32 @!p0 $0x100000, s0;
	[bflag:$0x2] =	sbarrier.arrive $0xFFFF  }
0x67: {  	[sflag:s0] =	ssyncadd.tile.s32 @!p0 $0x1;
	_ =	shalt  }
.Lfunc_end2:
_tile_overlayer_lowered:
.L_overlay_start_2:
0x68: {  	(tag) =	ssettag $0x2  }
0x69: {  	s0 =	rddreg [dreg:$0x0];
	s2 =	stileid.u32  }
0x6a: {  	s1 =	rddreg [dreg:$0x1];
	p0 =	sne.s32 s2, $0x0  }
0x6b: {  	s3 =	rddreg [dreg:$0x2];
	[bflag:$0x3] =	sbarrier.arrive $0xFFFF;
	s2 =	simm.s32 @!p0 $0x1C02  }
0x6c: {  	[timem:s3], [sflag:s2] =	dma.local @!p0 [hbm:s0], s1  }
0x6d: {  	s0 =	simm.s32 @!p0 $0x2  }
0x6e: {  	_ =	swait.ge @!p0 [sflag:s0], s1  }
0x6f: {  	s1 =	ssub.s32 @!p0 $0x0, s1;
	[sflag:s0] =	ssyncset.done @!p0 $0x0  }
0x70: {  	[sflag:s0] =	ssyncadd.s32 @!p0 s1  }
0x71: {  	[bflag:$0x3] =	sbarrier.arrive $0xFFFF  }
0x72: {  	_ =	shalt  }

// kernel: kernel.14.cloned.1.call-start
scs
__scs_entry_jumppad:
0x0: {  	(pc) =	sbr.rel $0x88, $3  }
0x1: {  	(tag) =	ssettag $0x0;
	lr =	simm.s32 $0x1  }
0x2: {  	[smem:$0x3F99] =	sst lr;
	_ =	strace $0xD0000000  }
0x3: {  	_ = 	snop  }
0x4: {  	_ = 	snop  }
0x5: {  	_ = 	snop  }
0x6: {  	_ = 	snop  }
0x7: {  	_ = 	snop  }
__scs_overlays_trampoline_lowered:
0x8: {  	[smem:$0x3FA8] =	sst s0  }
0x9: {  	[smem:$0x3FA9] =	sst s1  }
0xa: {  	[smem:$0x3FAA] =	sst s2  }
0xb: {  	[smem:$0x3FAB] =	sst s3  }
0xc: {  	[smem:$0x3FAC] =	sst s4  }
0xd: {  	[smem:$0x3FAD] =	sst s5  }
0xe: {  	[smem:$0x3FAE] =	sst s6  }
0xf: {  	[smem:$0x3FAF] =	sst s7  }
0x10: {  	[smem:$0x3FB0] =	sst s8  }
0x11: {  	[smem:$0x3FB1] =	sst s9;
	s0 =	simm.s32 @!p0 $0x0  }
0x12: {  	s1 =	sld [smem:$0x3F97];
	s0 =	simm.s32 @p0 $0x1  }
0x13: {  	[smem:$0x3FB2] =	sst s0;
	s0 =	simm.s32 @!p1 $0x0  }
0x14: {  	s2 =	sld [smem:$0x3F96];
	s0 =	simm.s32 @p1 $0x1  }
0x15: {  	[smem:$0x3FB3] =	sst s0;
	s0 =	simm.s32 @!p2 $0x0  }
0x16: {  	s3 =	sld [smem:$0x3FDB];
	s0 =	simm.s32 @p2 $0x1  }
0x17: {  	s4 =	simm.s32 $0x1BF5;
	[smem:$0x3FB5] =	sst s0  }
0x18: {  	s0 =	sld [smem:$0x3F98];
	_ =	swait.ge [sflag:s4], $0x0  }
0x19: {  	s7 =	sld [smem:$0x3F99]  }
0x1a: {  	s8 =	sadd.s32 $0xFFFFE003, lr  }
0x1b: {  	s9 =	sadd.s32 $0xFFFFFEF7, lr;
	s5 =	simm.s32 $0xFFFFFFFF;
	p2 =	slt.u32 s8, $0xFFFFF086  }
0x1c: {  	p1 =	slt.u32 s9, $0xF7A;
	s5 =	simm.s32 @!p2 $0x0  }
0x1d: {  	s5 =	simm.s32 @p1 $0x1;
	p0 =	seq.s32 s7, s2  }
0x1e: {  	s7 =	smul.u32 @!p0 $0xF7A, s2;
	p2 =	seq.s32 @!p0 s5, $0x0  }
0x1f: {  	s9 =	smul.u32 $0xF7A, s1;
	s8 =	simm.s32 @!p0 $0x1BF5;
	p2 =	por !p2, p0  }
0x20: {  	[sflag:s8] =	ssyncset.s32 @!p0 $0xFFFFF086;
	s6 =	sadd.s32 @!p0 s3, s7;
	s7 =	simm.s32 @!p0 $0x108  }
0x21: {  	s3 =	sadd.s32 s3, s9;
	s6 =	sadd.s32 @!p0 $0x88, s6;
	s7 =	simm.s32 @p2 $0x1082  }
0x22: {  	[simem:s7], [sflag:s8] =	dma.local @!p0 [hbm:s6], $0xF7A  }
0x23: {  	s9 =	sor.u32 $0xD0000000, s2;
	s6 =	simm.s32 $0x108;
	_ =	swait.ge @!p0 [sflag:s8], $0x0  }
0x24: {  	s3 =	sadd.s32 $0x88, s3;
	s6 =	simm.s32 @!p1 $0x1082;
	[sflag:s4] =	ssyncset.s32 $0xFFFFF086  }
0x25: {  	[simem:s6], [sflag:s4] =	dma.local [hbm:s3], $0xF7A  }
0x26: {  	[smem:$0x3F99] =	sst s1;
	(tag) =	ssettag s2;
	_ =	strace s9  }
0x27: {  	s1 =	sld [smem:$0x3FA9]  }
0x28: {  	s2 =	sld [smem:$0x3FAA]  }
0x29: {  	s4 =	sld [smem:$0x3FAC]  }
0x2a: {  	p0 =	seq.s32 s5, $0x0;
	s5 =	sld [smem:$0x3FAD]  }
0x2b: {  	s6 =	sld [smem:$0x3FAE]  }
0x2c: {  	s7 =	sld [smem:$0x3FAF]  }
0x2d: {  	s3 =	simm.s32 $0x108;
	s8 =	sld [smem:$0x3FB0]  }
0x2e: {  	s3 =	simm.s32 @!p0 $0x1082;
	s9 =	sld [smem:$0x3FB1]  }
0x2f: {  	lr =	sadd.s32 s0, s3;
	s0 =	sld [smem:$0x3FA8]  }
0x30: {  	s3 =	sld [smem:$0x3FAB]  }
0x31: {  	[smem:$0x3FB4] =	sst s10  }
0x32: {  	s10 =	sld [smem:$0x3FB2];
	_ =	sdelay $0x3  }
0x33: {  	p0 =	seq.s32 s10, $0x1;
	s10 =	sld [smem:$0x3FB4];
	_ =	sdelay $0x3  }
0x34: {  	[smem:$0x3FB4] =	sst s10  }
0x35: {  	s10 =	sld [smem:$0x3FB3];
	_ =	sdelay $0x3  }
0x36: {  	p1 =	seq.s32 s10, $0x1;
	s10 =	sld [smem:$0x3FB4];
	_ =	sdelay $0x3  }
0x37: {  	[smem:$0x3FB4] =	sst s10  }
0x38: {  	s10 =	sld [smem:$0x3FB5]  }
0x39: {  	_ = 	snop;
	(pc) =	sbr.ind lr, $3  }
0x3a: {  	_ = 	snop  }
0x3b: {  	_ = 	snop  }
0x3c: {  	p2 =	seq.s32 s10, $0x1;
	s10 =	sld [smem:$0x3FB4]  }
0x3d: {  	_ =	shalt  }
0x3e: {  	_ =	shalt  }
0x3f: {  	_ =	shalt  }
0x40: {  	_ =	shalt  }
0x41: {  	_ =	shalt  }
0x42: {  	_ =	shalt  }
0x43: {  	_ =	shalt  }
0x44: {  	_ =	shalt  }
0x45: {  	_ =	shalt  }
0x46: {  	_ =	shalt  }
0x47: {  	_ =	shalt  }
0x48: {  	_ =	shalt  }
0x49: {  	_ =	shalt  }
0x4a: {  	_ =	shalt  }
0x4b: {  	_ =	shalt  }
0x4c: {  	_ =	shalt  }
0x4d: {  	_ =	shalt  }
0x4e: {  	_ =	shalt  }
0x4f: {  	_ =	shalt  }
0x50: {  	_ =	shalt  }
0x51: {  	_ =	shalt  }
0x52: {  	_ =	shalt  }
0x53: {  	_ =	shalt  }
0x54: {  	_ =	shalt  }
0x55: {  	_ =	shalt  }
0x56: {  	_ =	shalt  }
0x57: {  	_ =	shalt  }
0x58: {  	_ =	shalt  }
0x59: {  	_ =	shalt  }
0x5a: {  	_ =	shalt  }
0x5b: {  	_ =	shalt  }
0x5c: {  	_ =	shalt  }
0x5d: {  	_ =	shalt  }
0x5e: {  	_ =	shalt  }
0x5f: {  	_ =	shalt  }
0x60: {  	_ =	shalt  }
0x61: {  	_ =	shalt  }
0x62: {  	_ =	shalt  }
0x63: {  	_ =	shalt  }
0x64: {  	_ =	shalt  }
0x65: {  	_ =	shalt  }
0x66: {  	_ =	shalt  }
0x67: {  	_ =	shalt  }
0x68: {  	_ =	shalt  }
0x69: {  	_ =	shalt  }
0x6a: {  	_ =	shalt  }
0x6b: {  	_ =	shalt  }
0x6c: {  	_ =	shalt  }
0x6d: {  	_ =	shalt  }
0x6e: {  	_ =	shalt  }
0x6f: {  	_ =	shalt  }
0x70: {  	_ =	shalt  }
0x71: {  	_ =	shalt  }
0x72: {  	_ =	shalt  }
0x73: {  	_ =	shalt  }
0x74: {  	_ =	shalt  }
0x75: {  	_ =	shalt  }
0x76: {  	_ =	shalt  }
0x77: {  	_ =	shalt  }
0x78: {  	_ =	shalt  }
0x79: {  	_ =	shalt  }
0x7a: {  	_ =	shalt  }
0x7b: {  	_ =	shalt  }
0x7c: {  	_ =	shalt  }
0x7d: {  	_ =	shalt  }
0x7e: {  	_ =	shalt  }
0x7f: {  	_ =	shalt  }
0x80: {  	_ =	shalt  }
0x81: {  	_ =	shalt  }
0x82: {  	_ =	shalt  }
0x83: {  	_ =	shalt  }
0x84: {  	_ =	shalt  }
0x85: {  	_ =	shalt  }
0x86: {  	_ =	shalt  }
0x87: {  	_ =	shalt  }
.Lfunc_end0:
.L_simem_size_0:
called_computation.2_lowered:
.L_overlay_start_0:
0x88: {  	s2 =	sld [smem:$0x3FD9]  }
0x89: {  	s3 =	sld [smem:$0x3FFE];
	_ =	sdelay $0x1  }
0x8a: {  	s1 =	srdreg.scid  }
0x8b: {  	s0 =	sand.u32 $0x1, s1  }
0x8c: {  	s17 =	sshll.u32 s0, $0xA;
	s2 =	sadd.s32 s3, s2  }
0x8d: {  	s2 =	sadd.s32 s2, s17  }
0x8e: {  	[smem:$0x3FC0] =	sst s2  }
0x8f: {  	_ = 	snop  }
0x90: {  	s2 =	sld [smem:$0x3FD0];
	(tm) =	ssettm $0x1  }
0x91: {  	s18 =	sld [smem:$0x3FFB];
	_ =	sdelay $0x3  }
0x92: {  	_ =	strace s18  }
0x93: {  	s3 =	sld [smem:$0x3FFC];
	_ =	sdelay $0x3  }
0x94: {  	_ =	strace s3  }
0x95: {  	s3 =	sld [smem:$0x3FFD];
	_ =	sdelay $0x3  }
0x96: {  	_ =	strace s3  }
0x97: {  	_ =	strace $0x8FFFFFFF  }
0x98: {  	s19 =	sld [smem:$0x3FDB];
	_ =	sdelay $0x1  }
0x99: {  	s4 =	simm.s32 $_scs_section_size  }
0x9a: {  	s5 =	simm.s32 $_size__tile_overlayer_lowered;
	s6 =	simm.s32 $_tile_overlayer_lowered  }
0x9b: {  	s22 =	simm.s32 $0x1BFF;
	s21 =	sshll.u32 s6, $0x1;
	s3 =	sadd.s32 s4, s19  }
0x9c: {  	s7 =	simm.s32 $0x0;
	s20 =	sshll.u32 s5, $0x1;
	s5 =	sadd.s32 s21, s3  }
0x9d: {  	[timem:s7], [sflag:s22] =	dma.local [hbm:s5], s20  }
0x9e: {  	_ =	swait.ge [sflag:s22], s20  }
0x9f: {  	s4 =	ssub.s32 $0x0, s20;
	[sflag:s22] =	ssyncset.done $0x0  }
0xa0: {  	[sflag:s22] =	ssyncadd.s32 s4;
	_ =	sdelay $0x1  }
0xa1: {  	s23 =	simm.s32 $0x1B8B  }
0xa2: {  	_ =	swait.ge [sflag:s23], $0x1  }
0xa3: {  	[sflag:s23] =	ssyncset.done $0x0  }
0xa4: {  	s25 =	simm.s32 $0x1B8E;
	s24 =	sld [smem:$0x3FFE];
	[sflag:s23] =	ssyncadd.s32 $0xFFFFFFFF  }
0xa5: {  	s26 =	simm.s32 $execute0_lowered;
	[smem:$0x3FD2] =	sst s25  }
0xa6: {  	s5 =	sshll.u32 s26, $0x1;
	_ =	strace $0x8000004C;
	[dreg:$0x1] =	wrdreg $0xFFFFFFFF  }
0xa7: {  	s28 =	simm.s32 $_size_execute0_lowered;
	s3 =	sadd.s32 s3, s5;
	[dreg:$0x0] =	wrdreg $0x0  }
0xa8: {  	s5 =	sshll.u32 s28, $0x1;
	[dreg:$0x2] =	wrdreg s3  }
0xa9: {  	[dreg:$0x3] =	wrdreg s5  }
0xaa: {  	[dreg:$0x4] =	wrdreg $0xC0  }
0xab: {  	_ =	task [dreg:s7], $0x5FFFF  }
0xac: {  	[dreg:$0x1] =	wrdreg $0xFFFFFFFF  }
0xad: {  	[dreg:$0x0] =	wrdreg $0x60  }
0xae: {  	[dreg:$0x2] =	wrdreg s2  }
0xaf: {  	[dreg:$0x3] =	wrdreg s24  }
0xb0: {  	[dreg:$0x4] =	wrdreg $0x2A800  }
0xb1: {  	[dreg:$0x5] =	wrdreg $0x9  }
0xb2: {  	_ =	task.clear_ibuf [dreg:s7], $0x6FFFF;
	_ =	strace $0x9000004C  }
0xb3: {  	s29 =	simm.s32 $0x9;
	_ =	strace $0x8000004E  }
0xb4: {  	_ =	swait.ge [sflag:s29], $0x1  }
0xb5: {  	[sflag:s29] =	ssyncadd.s32 $0xFFFFFFFF  }
0xb6: {  	_ =	strace $0x9000004E  }
0xb7: {  	_ =	sfence  }
0xb8: {  	s30 =	sld [smem:$0x0];
	_ =	sdelay $0x2  }
0xb9: {  	s31 =	sshll.u32 s1, $0xD;
	s1 =	sshrl.u32 s1, $0x2  }
0xba: {  	s3 =	sand.u32 $0x4000, s31;
	s1 =	sadd.s32 s1, s30  }
0xbb: {  	s0 =	sor.u32 s3, s0;
	s1 =	sshll.u32 s1, $0x11  }
0xbc: {  	s0 =	sor.u32 s1, s0  }
0xbd: {  	s0 =	sadd.s32 $0x8F2B, s0  }
0xbe: {  	[sflag:s0] =	ssyncadd.remote.s32 $0x1  }
0xbf: {  	_ =	sfence.sel $0xFFFF  }
0xc0: {  	[dreg:$0x0] =	wrdreg $0xFFFFFFFF;
	(pc) =	sbr.abs _section_cstart, $3  }
0xc1: {  	[dreg:$0x1] =	wrdreg $0xFFFFFFFF  }
0xc2: {  	_ =	task.clear_ibuf [dreg:s7], $0x2FFFF;
	_ =	strace $0x9FFFFFFF  }
0xc3: {  	(tm) =	ssettm $0x7FFFFFFF  }
tec
execute0_lowered:
.L_overlay_start_1:
0x0: {  	(tag) =	ssettag $0x1  }
0x1: {  	s2 =	rddreg [dreg:$0x0]  }
0x2: {  	s6 =	rddreg [dreg:$0x1]  }
0x3: {  	s3 =	rddreg [dreg:$0x2]  }
0x4: {  	s0 =	rddreg [dreg:$0x3];
	s1 =	stileid.u32  }
0x5: {  	s5 =	srdreg.scid;
	s4 =	simm.s32 $0x0;
	s15 =	simm.s32 $0x280  }
0x6: {  	s16 =	simm.s32 $0x1;
	s17 =	simm.s32 $0x80;
	s18 =	simm.s32 $0x0  }
0x7: {  	v0 =	vlaneseq.u32;
	s7 =	smul.u32 $0x14000, s1;
	s13 =	sand.u32 $0x1, s5;
	[smem:$0x7FF] =	sst s4  }
0x8: {  	s5 =	sadd.s32 $0x4E5C00, s6;
	s10 =	smul.u32 $0x50000, s1;
	v9 =	vmul.u32 $0x4, v0;
	s31 =	sshll.u32 s1, $0x6  }
0x9: {  	s8 =	smul.u32 $0x140000, s13;
	_ =	strace $0x8000004D;
	s29 =	ssub.s32 $0x2, s13  }
0xa: {  	s9 =	sshrl.u32 s7, $0x3;
	s11 =	sshrl.u32 s29, $0x1;
	s30 =	sshrl.u32 s10, $0x2;
	v0 =	vor.u32 s13, v9;
	v1 =	vor.u32 $0x40, v9;
	v2 =	vor.u32 $0x80, v9  }
0xb: {  	v3 =	vor.u32 $0xC0, v9;
	v4 =	vor.u32 $0x100, v9;
	s7 =	sadd.s32 s7, s8;
	s9 =	sadd.s32 s9, s6;
	s11 =	ssub.s32 s29, s11;
	v1 =	vor.u32 s13, v1  }
0xc: {  	s14 =	sadd.s32 s30, s3;
	s8 =	smul.u32 $0x4E20, s1;
	v2 =	vor.u32 s13, v2;
	v3 =	vor.u32 s13, v3;
	v4 =	vor.u32 s13, v4;
	s13 =	simm.s32 $0x100  }
0xd: {  	s7 =	sshrl.u32 s7, $0x3;
	s10 =	smax.u32 s11, $0x1;
	s11 =	sshrl.u32 s14, $0x3  }
0xe: {  	v5 =	vor.u32 $0x2, v9;
	v6 =	vor.u32 $0x42, v9;
	s14 =	simm.s32 $0x50;
	s12 =	sadd.s32 s7, s6;
	s6 =	sadd.s32 $0x3C00, s9  }
0xf: {  	v7 =	vor.u32 $0x82, v9;
	v8 =	vor.u32 $0xC2, v9;
	v9 =	vor.u32 $0x102, v9;
	s7 =	sor.u32 $0x1C02, s31;
	s9 =	sadd.s32 $0x2BC00, s12;
	s12 =	simm.s32 $0x2  }
.LBB2_1:
0x10: {  	[spmem:s11], [sflag:s7] =	dma.local [hbm:s6], $0x2800  }
0x11: {  	_ =	swait.ge [sflag:s12], $0x2800  }
0x12: {  	[sflag:s12] =	ssyncset.done $0x0  }
0x13: {  	[sflag:s12] =	ssyncadd.s32 $0xFFFFD800  }
0x14: {  	s19 =	simm.s32 $0x0;
	[bflag:$0x0] =	sbarrier.arrive $0xFFFF  }
.LBB2_2:
0x15: {  	s20 =	smul.u32 $0x50, s19;
	_ =	sdelay $0x1  }
0x16: {  	s20 =	sadd.s32 s8, s20  }
0x17: {  	s20 =	sshrl.u32 s20, $0x1  }
0x18: {  	s20 =	sadd.s32 s5, s20  }
0x19: {  	[tilespmem:s13], [sflag:$0x2] =	stream.linear.gather [hbm4b:s20+s4], $0x140, $0x38;
	[tilespmem:$0x16A80] =	vst v63  }
0x1a: {  	_ =	swait.ge [sflag:s12], $0x140  }
0x1b: {  	[sflag:s12] =	ssyncset.done $0x0  }
0x1c: {  	[sflag:s12] =	ssyncadd.s32 $0xFFFFFEC0  }
0x1d: {  	v10 =	vld.idx.msk [tilespmem:v0+s13+$0x0], $0xffff;
	_ =	sdelay $0x4  }
0x1e: {  	[tilespmem:$0x0] =	vst v10  }
0x1f: {  	v10 =	vld.idx.msk [tilespmem:v1+s13+$0x0], $0xffff;
	_ =	sdelay $0x4  }
0x20: {  	[tilespmem:$0x10] =	vst v10  }
0x21: {  	v10 =	vld.idx.msk [tilespmem:v2+s13+$0x0], $0xffff;
	_ =	sdelay $0x4  }
0x22: {  	[tilespmem:$0x20] =	vst v10  }
0x23: {  	v10 =	vld.idx.msk [tilespmem:v3+s13+$0x0], $0xffff;
	_ =	sdelay $0x4  }
0x24: {  	[tilespmem:$0x30] =	vst v10  }
0x25: {  	v10 =	vld.idx.msk [tilespmem:v4+s13+$0x0], $0xffff;
	_ =	sdelay $0x4  }
0x26: {  	[tilespmem:$0x40] =	vst v10  }
0x27: {  	v10 =	vld.idx.msk [tilespmem:v5+s13+$0x0], $0xffff;
	_ =	sdelay $0x4  }
0x28: {  	[tilespmem:$0x80] =	vst v10  }
0x29: {  	v10 =	vld.idx.msk [tilespmem:v6+s13+$0x0], $0xffff;
	_ =	sdelay $0x4  }
0x2a: {  	[tilespmem:$0x90] =	vst v10  }
0x2b: {  	v10 =	vld.idx.msk [tilespmem:v7+s13+$0x0], $0xffff;
	_ =	sdelay $0x4  }
0x2c: {  	[tilespmem:$0xA0] =	vst v10  }
0x2d: {  	v10 =	vld.idx.msk [tilespmem:v8+s13+$0x0], $0xffff;
	_ =	sdelay $0x4  }
0x2e: {  	[tilespmem:$0xB0] =	vst v10  }
0x2f: {  	v10 =	vld.idx.msk [tilespmem:v9+s13+$0x0], $0xffff;
	_ =	sdelay $0x4  }
0x30: {  	[tilespmem:$0xC0] =	vst v10  }
0x31: {  	[tilespmem:s15], [sflag:$0x1] =	stream.indirect.gather [hbm4b:s2+s14], $0x80, s4, s14, $0xb8;
	[tilespmem:$0x16A80] =	vst v63  }
0x32: {  	s31 =	simm.s32 $0x3;
	_ =	swait.ge [sflag:s16], $0x2800  }
0x33: {  	v10 =	vmov s31;
	[sflag:s16] =	ssyncset.done $0x0  }
0x34: {  	s20 =	simm.s32 $0x2C0;
	[sflag:s16] =	ssyncadd.s32 $0xFFFFD800  }
0x35: {  	v14 =	vld [tilespmem:s20+$0x30]  }
0x36: {  	v17 =	vld [tilespmem:s20+$0x10]  }
0x37: {  	v15 =	vld [tilespmem:s20+$0xFFFFFFC0]  }
0x38: {  	v11 =	vld.idx.msk [tilespmem:v10+s13+$0x0], $0xffff  }
0x39: {  	v19 =	vld [tilespmem:s20+$0xFFFFFFE0]  }
0x3a: {  	v10 =	vld [tilespmem:s20+$0xFFFFFFF0]  }
0x3b: {  	v12 =	vld [tilespmem:s20+$0x20]  }
0x3c: {  	v13 =	vld [tilespmem:s20+$0xFFFFFFD0]  }
0x3d: {  	v18 =	vmul.f32 v11, v14;
	v14 =	vld [tilespmem:s20+$0x0]  }
0x3e: {  	v16 =	vmul.f32 v11, v15  }
0x3f: {  	s21 =	simm.s32 $0x7;
	s22 =	simm.s32 $0x2C0;
	v15 =	vmul.f32 v11, v19;
	v17 =	vmul.f32 v11, v17  }
.LBB2_3:
0x40: {  	p0 =	sne.s32 s21, $0x13F  }
0x41: {  	v13 =	vmul.f32 v11, v13;
	v12 =	vmul.f32 v11, v12;
	[tilespmem:s20+$0x30] =	vst v18;
	s22 =	sadd.s32 $0x80, s22;
	s23 =	smov.u32 s21;
	s21 =	sadd.s32 $0x4, s21  }
0x42: {  	[tilespmem:s20+$0xFFFFFFC0] =	vst v16;
	v16 =	vmul.f32 v11, v10;
	v11 =	vmul.f32 v11, v14  }
0x43: {  	[tilespmem:s20+$0x10] =	vst v17  }
0x44: {  	v14 =	vmov s23;
	[tilespmem:s20+$0xFFFFFFE0] =	vst v15  }
0x45: {  	v10 =	vld [tilespmem:s22+$0xFFFFFFF0];
	[tilespmem:s20+$0xFFFFFFF0] =	vst v16  }
0x46: {  	v15 =	vld [tilespmem:s22+$0x30];
	[tilespmem:s20+$0x0] =	vst v11  }
0x47: {  	v17 =	vld [tilespmem:s22+$0x10];
	[tilespmem:s20+$0x20] =	vst v12  }
0x48: {  	v16 =	vld [tilespmem:s22+$0xFFFFFFC0];
	[tilespmem:s20+$0xFFFFFFD0] =	vst v13;
	s20 =	smov.u32 s22  }
0x49: {  	v11 =	vld.idx.msk [tilespmem:v14+s13+$0x0], $0xffff  }
0x4a: {  	v19 =	vld [tilespmem:s22+$0xFFFFFFE0]  }
0x4b: {  	v12 =	vld [tilespmem:s22+$0x20]  }
.Ltmp0:
0x4c: {  	v13 =	vld [tilespmem:s22+$0xFFFFFFD0];
	(pc) =	sbr.rel @p0 .LBB2_3-.Ltmp0, $3  }
0x4d: {  	v14 =	vld [tilespmem:s22+$0x0];
	_ =	sdelay $0x1  }
0x4e: {  	v16 =	vmul.f32 v11, v16;
	v18 =	vmul.f32 v11, v15  }
0x4f: {  	v17 =	vmul.f32 v11, v17;
	v15 =	vmul.f32 v11, v19  }
0x50: {  	[tilespmem:s20+$0x30] =	vst v18  }
0x51: {  	[tilespmem:s20+$0xFFFFFFC0] =	vst v16  }
0x52: {  	v10 =	vmul.f32 v11, v10;
	[tilespmem:s20+$0x10] =	vst v17  }
0x53: {  	v12 =	vmul.f32 v11, v12;
	[tilespmem:s20+$0xFFFFFFE0] =	vst v15  }
0x54: {  	v14 =	vmul.f32 v11, v14;
	[tilespmem:s20+$0xFFFFFFF0] =	vst v10  }
0x55: {  	s19 =	sadd.s32 $0x1, s19;
	v10 =	vmul.f32 v11, v13;
	[tilespmem:s20+$0x20] =	vst v12  }
0x56: {  	p0 =	sne.s32 s19, $0xFA;
	[tilespmem:s20+$0x0] =	vst v14  }
.Ltmp1:
0x57: {  	[tilespmem:s20+$0xFFFFFFD0] =	vst v10;
	(pc) =	sbr.rel @p0 .LBB2_2-.Ltmp1, $4  }
0x58: {  	[spmem:s3] =	stream.indirect.scatter.add.f32 [tilespmem:s15], [sflag:$0x2], $0x80, s17, s14, $0xb8;
	[tilespmem:$0x16A80] =	vst v63  }
0x59: {  	_ =	swait.ge [sflag:s12], $0x2800  }
0x5a: {  	[sflag:s12] =	ssyncset.done $0x0  }
0x5b: {  	[sflag:s12] =	ssyncadd.s32 $0xFFFFD800  }
0x5c: {  	s18 =	sadd.s32 $0x1, s18  }
0x5d: {  	p0 =	sne.s32 s18, s10  }
.Ltmp2:
0x5e: {  	[bflag:$0x0] =	sbarrier.arrive $0xFFFF;
	(pc) =	sbr.rel @p0 .LBB2_1-.Ltmp2, $4  }
0x5f: {  	[hbm:s9], [sflag:s7] =	dma.local [spmem:s11], $0x2800  }
0x60: {  	_ =	swait.ge [sflag:s12], $0x2800  }
0x61: {  	[sflag:s12] =	ssyncset.done $0x0  }
0x62: {  	[sflag:s12] =	ssyncadd.s32 $0xFFFFD800  }
0x63: {  	_ =	sfence.sel $0x180000  }
0x64: {  	[bflag:$0x0] =	sbarrier.arrive $0xFFFF  }
0x65: {  	p0 =	sne.s32 s1, $0x0;
	_ =	strace $0x9000004D  }
0x66: {  	s0 =	sadd.s32 @!p0 $0x100000, s0;
	[bflag:$0x2] =	sbarrier.arrive $0xFFFF  }
0x67: {  	[sflag:s0] =	ssyncadd.tile.s32 @!p0 $0x1;
	_ =	shalt  }
.Lfunc_end2:
_tile_overlayer_lowered:
.L_overlay_start_2:
0x68: {  	(tag) =	ssettag $0x2  }
0x69: {  	s0 =	rddreg [dreg:$0x0];
	s2 =	stileid.u32  }
0x6a: {  	s1 =	rddreg [dreg:$0x1];
	p0 =	sne.s32 s2, $0x0  }
0x6b: {  	s3 =	rddreg [dreg:$0x2];
	[bflag:$0x3] =	sbarrier.arrive $0xFFFF;
	s2 =	simm.s32 @!p0 $0x1C02  }
0x6c: {  	[timem:s3], [sflag:s2] =	dma.local @!p0 [hbm:s0], s1  }
0x6d: {  	s0 =	simm.s32 @!p0 $0x2  }
0x6e: {  	_ =	swait.ge @!p0 [sflag:s0], s1  }
0x6f: {  	s1 =	ssub.s32 @!p0 $0x0, s1;
	[sflag:s0] =	ssyncset.done @!p0 $0x0  }
0x70: {  	[sflag:s0] =	ssyncadd.s32 @!p0 s1  }
0x71: {  	[bflag:$0x3] =	sbarrier.arrive $0xFFFF  }
0x72: {  	_ =	shalt  }

// kernel: kernel.8.cloned.1.call-start
scs
__scs_entry_jumppad:
0x0: {  	(pc) =	sbr.rel $0x88, $3  }
0x1: {  	(tag) =	ssettag $0x0;
	lr =	simm.s32 $0x1  }
0x2: {  	[smem:$0x3F99] =	sst lr;
	_ =	strace $0xD0000000  }
0x3: {  	_ = 	snop  }
0x4: {  	_ = 	snop  }
0x5: {  	_ = 	snop  }
0x6: {  	_ = 	snop  }
0x7: {  	_ = 	snop  }
__scs_overlays_trampoline_lowered:
0x8: {  	[smem:$0x3FA8] =	sst s0  }
0x9: {  	[smem:$0x3FA9] =	sst s1  }
0xa: {  	[smem:$0x3FAA] =	sst s2  }
0xb: {  	[smem:$0x3FAB] =	sst s3  }
0xc: {  	[smem:$0x3FAC] =	sst s4  }
0xd: {  	[smem:$0x3FAD] =	sst s5  }
0xe: {  	[smem:$0x3FAE] =	sst s6  }
0xf: {  	[smem:$0x3FAF] =	sst s7  }
0x10: {  	[smem:$0x3FB0] =	sst s8  }
0x11: {  	[smem:$0x3FB1] =	sst s9;
	s0 =	simm.s32 @!p0 $0x0  }
0x12: {  	s1 =	sld [smem:$0x3F97];
	s0 =	simm.s32 @p0 $0x1  }
0x13: {  	[smem:$0x3FB2] =	sst s0;
	s0 =	simm.s32 @!p1 $0x0  }
0x14: {  	s2 =	sld [smem:$0x3F96];
	s0 =	simm.s32 @p1 $0x1  }
0x15: {  	[smem:$0x3FB3] =	sst s0;
	s0 =	simm.s32 @!p2 $0x0  }
0x16: {  	s3 =	sld [smem:$0x3FDB];
	s0 =	simm.s32 @p2 $0x1  }
0x17: {  	s4 =	simm.s32 $0x1BF5;
	[smem:$0x3FB5] =	sst s0  }
0x18: {  	s0 =	sld [smem:$0x3F98];
	_ =	swait.ge [sflag:s4], $0x0  }
0x19: {  	s7 =	sld [smem:$0x3F99]  }
0x1a: {  	s8 =	sadd.s32 $0xFFFFE003, lr  }
0x1b: {  	s9 =	sadd.s32 $0xFFFFFEF7, lr;
	s5 =	simm.s32 $0xFFFFFFFF;
	p2 =	slt.u32 s8, $0xFFFFF086  }
0x1c: {  	p1 =	slt.u32 s9, $0xF7A;
	s5 =	simm.s32 @!p2 $0x0  }
0x1d: {  	s5 =	simm.s32 @p1 $0x1;
	p0 =	seq.s32 s7, s2  }
0x1e: {  	s7 =	smul.u32 @!p0 $0xF7A, s2;
	p2 =	seq.s32 @!p0 s5, $0x0  }
0x1f: {  	s9 =	smul.u32 $0xF7A, s1;
	s8 =	simm.s32 @!p0 $0x1BF5;
	p2 =	por !p2, p0  }
0x20: {  	[sflag:s8] =	ssyncset.s32 @!p0 $0xFFFFF086;
	s6 =	sadd.s32 @!p0 s3, s7;
	s7 =	simm.s32 @!p0 $0x108  }
0x21: {  	s3 =	sadd.s32 s3, s9;
	s6 =	sadd.s32 @!p0 $0x88, s6;
	s7 =	simm.s32 @p2 $0x1082  }
0x22: {  	[simem:s7], [sflag:s8] =	dma.local @!p0 [hbm:s6], $0xF7A  }
0x23: {  	s9 =	sor.u32 $0xD0000000, s2;
	s6 =	simm.s32 $0x108;
	_ =	swait.ge @!p0 [sflag:s8], $0x0  }
0x24: {  	s3 =	sadd.s32 $0x88, s3;
	s6 =	simm.s32 @!p1 $0x1082;
	[sflag:s4] =	ssyncset.s32 $0xFFFFF086  }
0x25: {  	[simem:s6], [sflag:s4] =	dma.local [hbm:s3], $0xF7A  }
0x26: {  	[smem:$0x3F99] =	sst s1;
	(tag) =	ssettag s2;
	_ =	strace s9  }
0x27: {  	s1 =	sld [smem:$0x3FA9]  }
0x28: {  	s2 =	sld [smem:$0x3FAA]  }
0x29: {  	s4 =	sld [smem:$0x3FAC]  }
0x2a: {  	p0 =	seq.s32 s5, $0x0;
	s5 =	sld [smem:$0x3FAD]  }
0x2b: {  	s6 =	sld [smem:$0x3FAE]  }
0x2c: {  	s7 =	sld [smem:$0x3FAF]  }
0x2d: {  	s3 =	simm.s32 $0x108;
	s8 =	sld [smem:$0x3FB0]  }
0x2e: {  	s3 =	simm.s32 @!p0 $0x1082;
	s9 =	sld [smem:$0x3FB1]  }
0x2f: {  	lr =	sadd.s32 s0, s3;
	s0 =	sld [smem:$0x3FA8]  }
0x30: {  	s3 =	sld [smem:$0x3FAB]  }
0x31: {  	[smem:$0x3FB4] =	sst s10  }
0x32: {  	s10 =	sld [smem:$0x3FB2];
	_ =	sdelay $0x3  }
0x33: {  	p0 =	seq.s32 s10, $0x1;
	s10 =	sld [smem:$0x3FB4];
	_ =	sdelay $0x3  }
0x34: {  	[smem:$0x3FB4] =	sst s10  }
0x35: {  	s10 =	sld [smem:$0x3FB3];
	_ =	sdelay $0x3  }
0x36: {  	p1 =	seq.s32 s10, $0x1;
	s10 =	sld [smem:$0x3FB4];
	_ =	sdelay $0x3  }
0x37: {  	[smem:$0x3FB4] =	sst s10  }
0x38: {  	s10 =	sld [smem:$0x3FB5]  }
0x39: {  	_ = 	snop;
	(pc) =	sbr.ind lr, $3  }
0x3a: {  	_ = 	snop  }
0x3b: {  	_ = 	snop  }
0x3c: {  	p2 =	seq.s32 s10, $0x1;
	s10 =	sld [smem:$0x3FB4]  }
0x3d: {  	_ =	shalt  }
0x3e: {  	_ =	shalt  }
0x3f: {  	_ =	shalt  }
0x40: {  	_ =	shalt  }
0x41: {  	_ =	shalt  }
0x42: {  	_ =	shalt  }
0x43: {  	_ =	shalt  }
0x44: {  	_ =	shalt  }
0x45: {  	_ =	shalt  }
0x46: {  	_ =	shalt  }
0x47: {  	_ =	shalt  }
0x48: {  	_ =	shalt  }
0x49: {  	_ =	shalt  }
0x4a: {  	_ =	shalt  }
0x4b: {  	_ =	shalt  }
0x4c: {  	_ =	shalt  }
0x4d: {  	_ =	shalt  }
0x4e: {  	_ =	shalt  }
0x4f: {  	_ =	shalt  }
0x50: {  	_ =	shalt  }
0x51: {  	_ =	shalt  }
0x52: {  	_ =	shalt  }
0x53: {  	_ =	shalt  }
0x54: {  	_ =	shalt  }
0x55: {  	_ =	shalt  }
0x56: {  	_ =	shalt  }
0x57: {  	_ =	shalt  }
0x58: {  	_ =	shalt  }
0x59: {  	_ =	shalt  }
0x5a: {  	_ =	shalt  }
0x5b: {  	_ =	shalt  }
0x5c: {  	_ =	shalt  }
0x5d: {  	_ =	shalt  }
0x5e: {  	_ =	shalt  }
0x5f: {  	_ =	shalt  }
0x60: {  	_ =	shalt  }
0x61: {  	_ =	shalt  }
0x62: {  	_ =	shalt  }
0x63: {  	_ =	shalt  }
0x64: {  	_ =	shalt  }
0x65: {  	_ =	shalt  }
0x66: {  	_ =	shalt  }
0x67: {  	_ =	shalt  }
0x68: {  	_ =	shalt  }
0x69: {  	_ =	shalt  }
0x6a: {  	_ =	shalt  }
0x6b: {  	_ =	shalt  }
0x6c: {  	_ =	shalt  }
0x6d: {  	_ =	shalt  }
0x6e: {  	_ =	shalt  }
0x6f: {  	_ =	shalt  }
0x70: {  	_ =	shalt  }
0x71: {  	_ =	shalt  }
0x72: {  	_ =	shalt  }
0x73: {  	_ =	shalt  }
0x74: {  	_ =	shalt  }
0x75: {  	_ =	shalt  }
0x76: {  	_ =	shalt  }
0x77: {  	_ =	shalt  }
0x78: {  	_ =	shalt  }
0x79: {  	_ =	shalt  }
0x7a: {  	_ =	shalt  }
0x7b: {  	_ =	shalt  }
0x7c: {  	_ =	shalt  }
0x7d: {  	_ =	shalt  }
0x7e: {  	_ =	shalt  }
0x7f: {  	_ =	shalt  }
0x80: {  	_ =	shalt  }
0x81: {  	_ =	shalt  }
0x82: {  	_ =	shalt  }
0x83: {  	_ =	shalt  }
0x84: {  	_ =	shalt  }
0x85: {  	_ =	shalt  }
0x86: {  	_ =	shalt  }
0x87: {  	_ =	shalt  }
.Lfunc_end0:
.L_simem_size_0:
called_computation_lowered:
.L_overlay_start_0:
0x88: {  	s2 =	sld [smem:$0x3FD9]  }
0x89: {  	s3 =	sld [smem:$0x3FFE];
	_ =	sdelay $0x1  }
0x8a: {  	s1 =	srdreg.scid  }
0x8b: {  	s0 =	sand.u32 $0x1, s1  }
0x8c: {  	s17 =	sshll.u32 s0, $0xA;
	s2 =	sadd.s32 s3, s2  }
0x8d: {  	s2 =	sadd.s32 s2, s17  }
0x8e: {  	[smem:$0x3FC0] =	sst s2  }
0x8f: {  	_ = 	snop  }
0x90: {  	s2 =	sld [smem:$0x3FC9];
	(tm) =	ssettm $0x1  }
0x91: {  	s18 =	sld [smem:$0x3FFB];
	_ =	sdelay $0x3  }
0x92: {  	_ =	strace s18  }
0x93: {  	s3 =	sld [smem:$0x3FFC];
	_ =	sdelay $0x3  }
0x94: {  	_ =	strace s3  }
0x95: {  	s3 =	sld [smem:$0x3FFD];
	_ =	sdelay $0x3  }
0x96: {  	_ =	strace s3  }
0x97: {  	_ =	strace $0x8FFFFFFF  }
0x98: {  	s19 =	sld [smem:$0x3FDB];
	_ =	sdelay $0x1  }
0x99: {  	s4 =	simm.s32 $_scs_section_size  }
0x9a: {  	s5 =	simm.s32 $_size__tile_overlayer_lowered;
	s6 =	simm.s32 $_tile_overlayer_lowered  }
0x9b: {  	s22 =	simm.s32 $0x1BFF;
	s21 =	sshll.u32 s6, $0x1;
	s3 =	sadd.s32 s4, s19  }
0x9c: {  	s7 =	simm.s32 $0x0;
	s20 =	sshll.u32 s5, $0x1;
	s5 =	sadd.s32 s21, s3  }
0x9d: {  	[timem:s7], [sflag:s22] =	dma.local [hbm:s5], s20  }
0x9e: {  	_ =	swait.ge [sflag:s22], s20  }
0x9f: {  	s4 =	ssub.s32 $0x0, s20;
	[sflag:s22] =	ssyncset.done $0x0  }
0xa0: {  	[sflag:s22] =	ssyncadd.s32 s4;
	_ =	sdelay $0x1  }
0xa1: {  	s23 =	simm.s32 $0x1B8B  }
0xa2: {  	_ =	swait.ge [sflag:s23], $0x1  }
0xa3: {  	[sflag:s23] =	ssyncset.done $0x0  }
0xa4: {  	s25 =	simm.s32 $0x1B8E;
	s24 =	sld [smem:$0x3FFE];
	[sflag:s23] =	ssyncadd.s32 $0xFFFFFFFF  }
0xa5: {  	s26 =	simm.s32 $execute0_lowered;
	[smem:$0x3FD2] =	sst s25  }
0xa6: {  	s5 =	sshll.u32 s26, $0x1;
	_ =	strace $0x80000046;
	[dreg:$0x1] =	wrdreg $0xFFFFFFFF  }
0xa7: {  	s28 =	simm.s32 $_size_execute0_lowered;
	s3 =	sadd.s32 s3, s5;
	[dreg:$0x0] =	wrdreg $0x0  }
0xa8: {  	s5 =	sshll.u32 s28, $0x1;
	[dreg:$0x2] =	wrdreg s3  }
0xa9: {  	[dreg:$0x3] =	wrdreg s5  }
0xaa: {  	[dreg:$0x4] =	wrdreg $0xC0  }
0xab: {  	_ =	task [dreg:s7], $0x5FFFF  }
0xac: {  	[dreg:$0x1] =	wrdreg $0xFFFFFFFF  }
0xad: {  	[dreg:$0x0] =	wrdreg $0x60  }
0xae: {  	[dreg:$0x2] =	wrdreg s2  }
0xaf: {  	[dreg:$0x3] =	wrdreg s24  }
0xb0: {  	[dreg:$0x4] =	wrdreg $0x52800  }
0xb1: {  	[dreg:$0x5] =	wrdreg $0x9  }
0xb2: {  	_ =	task.clear_ibuf [dreg:s7], $0x6FFFF;
	_ =	strace $0x90000046  }
0xb3: {  	s29 =	simm.s32 $0x9;
	_ =	strace $0x80000048  }
0xb4: {  	_ =	swait.ge [sflag:s29], $0x1  }
0xb5: {  	[sflag:s29] =	ssyncadd.s32 $0xFFFFFFFF  }
0xb6: {  	_ =	strace $0x90000048  }
0xb7: {  	_ =	sfence  }
0xb8: {  	s30 =	sld [smem:$0x0];
	_ =	sdelay $0x2  }
0xb9: {  	s31 =	sshll.u32 s1, $0xD;
	s1 =	sshrl.u32 s1, $0x2  }
0xba: {  	s3 =	sand.u32 $0x4000, s31;
	s1 =	sadd.s32 s1, s30  }
0xbb: {  	s0 =	sor.u32 s3, s0;
	s1 =	sshll.u32 s1, $0x11  }
0xbc: {  	s0 =	sor.u32 s1, s0  }
0xbd: {  	s0 =	sadd.s32 $0x8F2B, s0  }
0xbe: {  	[sflag:s0] =	ssyncadd.remote.s32 $0x1  }
0xbf: {  	_ =	sfence.sel $0xFFFF  }
0xc0: {  	[dreg:$0x0] =	wrdreg $0xFFFFFFFF;
	(pc) =	sbr.abs _section_cstart, $3  }
0xc1: {  	[dreg:$0x1] =	wrdreg $0xFFFFFFFF  }
0xc2: {  	_ =	task.clear_ibuf [dreg:s7], $0x2FFFF;
	_ =	strace $0x9FFFFFFF  }
0xc3: {  	(tm) =	ssettm $0x7FFFFFFF  }
tec
execute0_lowered:
.L_overlay_start_1:
0x0: {  	(tag) =	ssettag $0x1  }
0x1: {  	s1 =	rddreg [dreg:$0x0]  }
0x2: {  	s6 =	rddreg [dreg:$0x1];
	s0 =	stileid.u32  }
0x3: {  	s2 =	srdreg.scid;
	s3 =	rddreg [dreg:$0x2]  }
0x4: {  	s4 =	simm.s32 $0x0;
	s15 =	simm.s32 $0x100;
	s16 =	simm.s32 $0x50  }
0x5: {  	s17 =	simm.s32 $0x280;
	s18 =	simm.s32 $0x1;
	s19 =	simm.s32 $0x80  }
0x6: {  	s20 =	simm.s32 $0x2A80;
	s21 =	simm.s32 $0x0;
	s7 =	smul.u32 $0x14000, s0  }
0x7: {  	s8 =	sand.u32 $0x1, s2;
	s2 =	rddreg [dreg:$0x3];
	s10 =	smul.u32 $0x50000, s0  }
0x8: {  	[smem:$0x7FF] =	sst s4;
	s5 =	sadd.s32 $0x4E5C00, s6;
	s12 =	smul.u32 $0x4E20, s0  }
0x9: {  	s29 =	sshll.u32 s0, $0x6;
	s30 =	sshll.u32 s0, $0x1;
	s9 =	smul.u32 $0x140000, s8  }
0xa: {  	_ =	strace $0x80000047;
	s25 =	ssub.s32 $0x2, s8;
	s28 =	smul.u32 $0x2710, s8  }
0xb: {  	s8 =	sor.u32 s8, s30;
	s26 =	sshrl.u32 s25, $0x1;
	s10 =	sshrl.u32 s10, $0x2  }
0xc: {  	v0 =	vlaneseq.u32;
	s8 =	smul.u32 $0x2710, s8;
	s9 =	sadd.s32 s7, s9;
	s7 =	sshrl.u32 s7, $0x3  }
0xd: {  	v0 =	vmul.u32 $0x4, v0;
	s13 =	ssub.s32 s25, s26;
	s14 =	sadd.s32 s10, s3;
	s31 =	sadd.s32 s28, s12  }
0xe: {  	v1 =	vimm.f32 $1.000000000e+00;
	s9 =	sshrl.u32 s9, $0x3;
	s7 =	sadd.s32 s7, s6;
	s12 =	sshrl.u32 s31, $0x1  }
0xf: {  	v2 =	vor.u32 $0x40, v0;
	v3 =	vor.u32 $0x80, v0;
	v4 =	vor.u32 $0xC0, v0;
	s11 =	sadd.s32 s9, s6;
	s6 =	sadd.s32 $0x3C00, s7;
	s7 =	sor.u32 $0x1C02, s29  }
0x10: {  	v5 =	vor.u32 $0x100, v0;
	v6 =	vor.u32 $0x2, v0;
	v7 =	vor.u32 $0x42, v0;
	s12 =	sadd.s32 s12, s5;
	s9 =	sadd.s32 $0x2BC00, s11;
	s10 =	sadd.s32 $0x7BC00, s11  }
0x11: {  	v8 =	vor.u32 $0x82, v0;
	v9 =	vor.u32 $0xC2, v0;
	v10 =	vor.u32 $0x102, v0;
	s11 =	smax.u32 s13, $0x1;
	s13 =	sshrl.u32 s14, $0x3;
	s14 =	simm.s32 $0x2  }
.LBB2_1:
0x12: {  	[spmem:s13], [sflag:s7] =	dma.local [hbm:s6], $0x2800  }
0x13: {  	_ =	swait.ge [sflag:s14], $0x2800  }
0x14: {  	[sflag:s14] =	ssyncset.done $0x0  }
0x15: {  	s22 =	simm.s32 $0x0;
	s23 =	simm.s32 $0x200;
	[sflag:s14] =	ssyncadd.s32 $0xFFFFD800  }
.LBB2_2:
0x16: {  	p0 =	sne.s32 s23, $0x9E00;
	[tilespmem:s22+$0x2AF0] =	vst v1  }
0x17: {  	[tilespmem:s22+$0x2A80] =	vst v1  }
0x18: {  	[tilespmem:s22+$0x2A90] =	vst v1  }
.Ltmp0:
0x19: {  	[tilespmem:s22+$0x2AA0] =	vst v1;
	(pc) =	sbr.rel @p0 .LBB2_2-.Ltmp0, $4  }
0x1a: {  	[tilespmem:s22+$0x2AB0] =	vst v1  }
0x1b: {  	[tilespmem:s22+$0x2AC0] =	vst v1  }
0x1c: {  	[tilespmem:s22+$0x2AD0] =	vst v1  }
0x1d: {  	[tilespmem:s22+$0x2AE0] =	vst v1;
	s22 =	sshra.s32 s23, $0x2;
	s23 =	sadd.s32 $0x200, s23  }
0x1e: {  	[tilespmem:s22+$0x2AF0] =	vst v1  }
0x1f: {  	[tilespmem:s22+$0x2A80] =	vst v1  }
0x20: {  	[tilespmem:s22+$0x2A90] =	vst v1  }
0x21: {  	[tilespmem:s22+$0x2AA0] =	vst v1  }
0x22: {  	[tilespmem:s22+$0x2AB0] =	vst v1  }
0x23: {  	[tilespmem:s22+$0x2AC0] =	vst v1  }
0x24: {  	[tilespmem:s22+$0x2AD0] =	vst v1  }
0x25: {  	[tilespmem:s22+$0x2AE0] =	vst v1  }
0x26: {  	s22 =	simm.s32 $0x0;
	[bflag:$0x0] =	sbarrier.arrive $0xFFFF  }
.LBB2_4:
0x27: {  	s23 =	smul.u32 $0x50, s22;
	_ =	sdelay $0x1  }
0x28: {  	s23 =	sadd.s32 s8, s23  }
0x29: {  	s23 =	sshrl.u32 s23, $0x1  }
0x2a: {  	s23 =	sadd.s32 s5, s23  }
0x2b: {  	[tilespmem:s15], [sflag:$0x2] =	stream.linear.gather [hbm4b:s23+s4], $0x140, $0x38;
	[tilespmem:$0x19280] =	vst v63  }
0x2c: {  	_ =	swait.ge [sflag:s14], $0x140  }
0x2d: {  	[sflag:s14] =	ssyncset.done $0x0  }
0x2e: {  	[sflag:s14] =	ssyncadd.s32 $0xFFFFFEC0  }
0x2f: {  	v11 =	vld.idx.msk [tilespmem:v0+s15+$0x0], $0xffff;
	_ =	sdelay $0x4  }
0x30: {  	[tilespmem:$0x0] =	vst v11  }
0x31: {  	v11 =	vld.idx.msk [tilespmem:v2+s15+$0x0], $0xffff;
	_ =	sdelay $0x4  }
0x32: {  	[tilespmem:$0x10] =	vst v11  }
0x33: {  	v11 =	vld.idx.msk [tilespmem:v3+s15+$0x0], $0xffff;
	_ =	sdelay $0x4  }
0x34: {  	[tilespmem:$0x20] =	vst v11  }
0x35: {  	v11 =	vld.idx.msk [tilespmem:v4+s15+$0x0], $0xffff;
	_ =	sdelay $0x4  }
0x36: {  	[tilespmem:$0x30] =	vst v11  }
0x37: {  	v11 =	vld.idx.msk [tilespmem:v5+s15+$0x0], $0xffff;
	_ =	sdelay $0x4  }
0x38: {  	[tilespmem:$0x40] =	vst v11  }
0x39: {  	v11 =	vld.idx.msk [tilespmem:v6+s15+$0x0], $0xffff;
	_ =	sdelay $0x4  }
0x3a: {  	[tilespmem:$0x80] =	vst v11  }
0x3b: {  	v11 =	vld.idx.msk [tilespmem:v7+s15+$0x0], $0xffff;
	_ =	sdelay $0x4  }
0x3c: {  	[tilespmem:$0x90] =	vst v11  }
0x3d: {  	v11 =	vld.idx.msk [tilespmem:v8+s15+$0x0], $0xffff;
	_ =	sdelay $0x4  }
0x3e: {  	[tilespmem:$0xA0] =	vst v11  }
0x3f: {  	v11 =	vld.idx.msk [tilespmem:v9+s15+$0x0], $0xffff;
	_ =	sdelay $0x4  }
0x40: {  	[tilespmem:$0xB0] =	vst v11  }
0x41: {  	v11 =	vld.idx.msk [tilespmem:v10+s15+$0x0], $0xffff;
	_ =	sdelay $0x4  }
0x42: {  	[tilespmem:$0xC0] =	vst v11  }
0x43: {  	[tilespmem:s17], [sflag:$0x1] =	stream.indirect.gather [hbm4b:s1+s16], $0x80, s4, s16, $0xb8;
	[tilespmem:$0x19280] =	vst v63  }
0x44: {  	s31 =	simm.s32 $0x3;
	_ =	swait.ge [sflag:s18], $0x2800  }
0x45: {  	v11 =	vmov s31;
	[sflag:s18] =	ssyncset.done $0x0  }
0x46: {  	s23 =	simm.s32 $0x2C0;
	[sflag:s18] =	ssyncadd.s32 $0xFFFFD800  }
0x47: {  	v15 =	vld [tilespmem:s23+$0x30]  }
0x48: {  	v18 =	vld [tilespmem:s23+$0x10]  }
0x49: {  	v16 =	vld [tilespmem:s23+$0xFFFFFFC0]  }
0x4a: {  	v12 =	vld.idx.msk [tilespmem:v11+s15+$0x0], $0xffff  }
0x4b: {  	v20 =	vld [tilespmem:s23+$0xFFFFFFE0]  }
0x4c: {  	v11 =	vld [tilespmem:s23+$0xFFFFFFF0]  }
0x4d: {  	v13 =	vld [tilespmem:s23+$0x20]  }
0x4e: {  	v14 =	vld [tilespmem:s23+$0xFFFFFFD0]  }
0x4f: {  	v19 =	vmul.f32 v12, v15;
	v15 =	vld [tilespmem:s23+$0x0]  }
0x50: {  	v17 =	vmul.f32 v12, v16  }
0x51: {  	s24 =	simm.s32 $0x7;
	s25 =	simm.s32 $0x2C0;
	v16 =	vmul.f32 v12, v20;
	v18 =	vmul.f32 v12, v18  }
.LBB2_5:
0x52: {  	p0 =	sne.s32 s24, $0x13F  }
0x53: {  	v14 =	vmul.f32 v12, v14;
	v13 =	vmul.f32 v12, v13;
	[tilespmem:s23+$0x30] =	vst v19;
	s25 =	sadd.s32 $0x80, s25;
	s26 =	smov.u32 s24;
	s24 =	sadd.s32 $0x4, s24  }
0x54: {  	[tilespmem:s23+$0xFFFFFFC0] =	vst v17;
	v17 =	vmul.f32 v12, v11;
	v12 =	vmul.f32 v12, v15  }
0x55: {  	[tilespmem:s23+$0x10] =	vst v18  }
0x56: {  	v15 =	vmov s26;
	[tilespmem:s23+$0xFFFFFFE0] =	vst v16  }
0x57: {  	v11 =	vld [tilespmem:s25+$0xFFFFFFF0];
	[tilespmem:s23+$0xFFFFFFF0] =	vst v17  }
0x58: {  	v16 =	vld [tilespmem:s25+$0x30];
	[tilespmem:s23+$0x0] =	vst v12  }
0x59: {  	v18 =	vld [tilespmem:s25+$0x10];
	[tilespmem:s23+$0x20] =	vst v13  }
0x5a: {  	v17 =	vld [tilespmem:s25+$0xFFFFFFC0];
	[tilespmem:s23+$0xFFFFFFD0] =	vst v14;
	s23 =	smov.u32 s25  }
0x5b: {  	v12 =	vld.idx.msk [tilespmem:v15+s15+$0x0], $0xffff  }
0x5c: {  	v20 =	vld [tilespmem:s25+$0xFFFFFFE0]  }
0x5d: {  	v13 =	vld [tilespmem:s25+$0x20]  }
.Ltmp1:
0x5e: {  	v14 =	vld [tilespmem:s25+$0xFFFFFFD0];
	(pc) =	sbr.rel @p0 .LBB2_5-.Ltmp1, $3  }
0x5f: {  	v15 =	vld [tilespmem:s25+$0x0];
	_ =	sdelay $0x1  }
0x60: {  	v17 =	vmul.f32 v12, v17;
	v19 =	vmul.f32 v12, v16  }
0x61: {  	v18 =	vmul.f32 v12, v18;
	v16 =	vmul.f32 v12, v20  }
0x62: {  	[tilespmem:s23+$0x30] =	vst v19  }
0x63: {  	[tilespmem:s23+$0xFFFFFFC0] =	vst v17  }
0x64: {  	v11 =	vmul.f32 v12, v11;
	[tilespmem:s23+$0x10] =	vst v18  }
0x65: {  	v13 =	vmul.f32 v12, v13;
	[tilespmem:s23+$0xFFFFFFE0] =	vst v16  }
0x66: {  	v15 =	vmul.f32 v12, v15;
	[tilespmem:s23+$0xFFFFFFF0] =	vst v11  }
0x67: {  	s22 =	sadd.s32 $0x1, s22;
	v11 =	vmul.f32 v12, v14;
	[tilespmem:s23+$0x20] =	vst v13  }
0x68: {  	p0 =	sne.s32 s22, $0x7D;
	[tilespmem:s23+$0x0] =	vst v15  }
.Ltmp2:
0x69: {  	[tilespmem:s23+$0xFFFFFFD0] =	vst v11;
	(pc) =	sbr.rel @p0 .LBB2_4-.Ltmp2, $4  }
0x6a: {  	[spmem:s3] =	stream.indirect.scatter.add.f32 [tilespmem:s17], [sflag:$0x2], $0x80, s19, s16, $0xb8;
	[tilespmem:$0x19280] =	vst v63  }
0x6b: {  	_ =	swait.ge [sflag:s14], $0x2800  }
0x6c: {  	[sflag:s14] =	ssyncset.done $0x0  }
0x6d: {  	[sflag:s14] =	ssyncadd.s32 $0xFFFFD800  }
0x6e: {  	[bflag:$0x0] =	sbarrier.arrive $0xFFFF  }
0x6f: {  	[hbm:s9], [sflag:s7] =	dma.local [spmem:s13], $0x2800  }
0x70: {  	_ =	swait.ge [sflag:s14], $0x2800  }
0x71: {  	[sflag:s14] =	ssyncset.done $0x0  }
0x72: {  	[sflag:s14] =	ssyncadd.s32 $0xFFFFD800  }
0x73: {  	[bflag:$0x0] =	sbarrier.arrive $0xFFFF  }
0x74: {  	[spmem:s13], [sflag:s7] =	dma.local [hbm:s6], $0x2800  }
0x75: {  	_ =	swait.ge [sflag:s14], $0x2800  }
0x76: {  	[sflag:s14] =	ssyncset.done $0x0  }
0x77: {  	[sflag:s14] =	ssyncadd.s32 $0xFFFFD800  }
0x78: {  	s22 =	sadd.s32 $0x0, s12;
	[bflag:$0x0] =	sbarrier.arrive $0xFFFF  }
0x79: {  	[tilespmem:s15], [sflag:$0x2] =	stream.linear.gather [hbm4b:s22+s4], $0x140, $0x38;
	[tilespmem:$0x19280] =	vst v63  }
0x7a: {  	_ =	swait.ge [sflag:s14], $0x140  }
0x7b: {  	[sflag:s14] =	ssyncset.done $0x0  }
0x7c: {  	[sflag:s14] =	ssyncadd.s32 $0xFFFFFEC0  }
0x7d: {  	v11 =	vld.idx.msk [tilespmem:v6+s15+$0x0], $0xffff;
	_ =	sdelay $0x4  }
0x7e: {  	[tilespmem:$0x80] =	vst v11  }
0x7f: {  	v11 =	vld.idx.msk [tilespmem:v7+s15+$0x0], $0xffff;
	_ =	sdelay $0x4  }
0x80: {  	[tilespmem:$0x90] =	vst v11  }
0x81: {  	v11 =	vld.idx.msk [tilespmem:v8+s15+$0x0], $0xffff;
	_ =	sdelay $0x4  }
0x82: {  	[tilespmem:$0xA0] =	vst v11  }
0x83: {  	v11 =	vld.idx.msk [tilespmem:v9+s15+$0x0], $0xffff;
	_ =	sdelay $0x4  }
0x84: {  	[tilespmem:$0xB0] =	vst v11  }
0x85: {  	v11 =	vld.idx.msk [tilespmem:v10+s15+$0x0], $0xffff;
	_ =	sdelay $0x4  }
0x86: {  	[tilespmem:$0xC0] =	vst v11  }
0x87: {  	[spmem:s3] =	stream.indirect.scatter.add.f32 [tilespmem:s20], [sflag:$0x2], $0x80, s19, s16, $0xb8;
	[tilespmem:$0x19280] =	vst v63  }
0x88: {  	_ =	swait.ge [sflag:s14], $0x2800  }
0x89: {  	s23 =	simm.s32 $0x50;
	s22 =	simm.s32 $0x28;
	[sflag:s14] =	ssyncset.done $0x0  }
.LBB2_8:
0x8a: {  	s24 =	sadd.s32 s22, s12  }
0x8b: {  	[sflag:s14] =	ssyncadd.s32 $0xFFFFD800;
	s22 =	smov.u32 s23;
	s25 =	sadd.s32 $0x28, s23  }
0x8c: {  	[tilespmem:s15], [sflag:$0x2] =	stream.linear.gather [hbm4b:s24+s4], $0x140, $0x38;
	[tilespmem:$0x19280] =	vst v63  }
0x8d: {  	p0 =	sne.s32 s23, $0x1360;
	_ =	swait.ge [sflag:s14], $0x140  }
0x8e: {  	[sflag:s14] =	ssyncset.done $0x0  }
0x8f: {  	[sflag:s14] =	ssyncadd.s32 $0xFFFFFEC0  }
0x90: {  	v11 =	vld.idx.msk [tilespmem:v6+s15+$0x0], $0xffff;
	_ =	sdelay $0x5  }
0x91: {  	[tilespmem:$0x80] =	vst v11  }
0x92: {  	v11 =	vld.idx.msk [tilespmem:v7+s15+$0x0], $0xffff;
	_ =	sdelay $0x5  }
0x93: {  	[tilespmem:$0x90] =	vst v11  }
0x94: {  	v11 =	vld.idx.msk [tilespmem:v8+s15+$0x0], $0xffff;
	_ =	sdelay $0x5  }
0x95: {  	[tilespmem:$0xA0] =	vst v11  }
0x96: {  	v11 =	vld.idx.msk [tilespmem:v9+s15+$0x0], $0xffff;
	_ =	sdelay $0x5  }
0x97: {  	[tilespmem:$0xB0] =	vst v11  }
0x98: {  	v11 =	vld.idx.msk [tilespmem:v10+s15+$0x0], $0xffff;
	_ =	sdelay $0x4  }
.Ltmp3:
0x99: {  	(pc) =	sbr.rel @p0 .LBB2_8-.Ltmp3, $4  }
0x9a: {  	[tilespmem:$0xC0] =	vst v11  }
0x9b: {  	[spmem:s3] =	stream.indirect.scatter.add.f32 [tilespmem:s20], [sflag:$0x2], $0x80, s19, s16, $0xb8;
	[tilespmem:$0x19280] =	vst v63  }
0x9c: {  	_ =	swait.ge [sflag:s14], $0x2800  }
0x9d: {  	s23 =	smov.u32 s25;
	[sflag:s14] =	ssyncset.done $0x0  }
0x9e: {  	s22 =	sadd.s32 s22, s12;
	[sflag:s14] =	ssyncadd.s32 $0xFFFFD800  }
0x9f: {  	[tilespmem:s15], [sflag:$0x2] =	stream.linear.gather [hbm4b:s22+s4], $0x140, $0x38;
	[tilespmem:$0x19280] =	vst v63  }
0xa0: {  	_ =	swait.ge [sflag:s14], $0x140  }
0xa1: {  	[sflag:s14] =	ssyncset.done $0x0  }
0xa2: {  	[sflag:s14] =	ssyncadd.s32 $0xFFFFFEC0  }
0xa3: {  	v11 =	vld.idx.msk [tilespmem:v6+s15+$0x0], $0xffff;
	_ =	sdelay $0x4  }
0xa4: {  	[tilespmem:$0x80] =	vst v11  }
0xa5: {  	v11 =	vld.idx.msk [tilespmem:v7+s15+$0x0], $0xffff;
	_ =	sdelay $0x4  }
0xa6: {  	[tilespmem:$0x90] =	vst v11  }
0xa7: {  	v11 =	vld.idx.msk [tilespmem:v8+s15+$0x0], $0xffff;
	_ =	sdelay $0x4  }
0xa8: {  	[tilespmem:$0xA0] =	vst v11  }
0xa9: {  	v11 =	vld.idx.msk [tilespmem:v9+s15+$0x0], $0xffff;
	_ =	sdelay $0x4  }
0xaa: {  	[tilespmem:$0xB0] =	vst v11  }
0xab: {  	v11 =	vld.idx.msk [tilespmem:v10+s15+$0x0], $0xffff;
	_ =	sdelay $0x4  }
0xac: {  	[tilespmem:$0xC0] =	vst v11  }
0xad: {  	[spmem:s3] =	stream.indirect.scatter.add.f32 [tilespmem:s20], [sflag:$0x2], $0x80, s19, s16, $0xb8;
	[tilespmem:$0x19280] =	vst v63  }
0xae: {  	_ =	swait.ge [sflag:s14], $0x2800  }
0xaf: {  	s21 =	sadd.s32 $0x1, s21;
	[sflag:s14] =	ssyncset.done $0x0  }
0xb0: {  	p0 =	sne.s32 s21, s11;
	[sflag:s14] =	ssyncadd.s32 $0xFFFFD800  }
.Ltmp4:
0xb1: {  	[bflag:$0x0] =	sbarrier.arrive $0xFFFF;
	(pc) =	sbr.rel @p0 .LBB2_1-.Ltmp4, $4  }
0xb2: {  	[hbm:s10], [sflag:s7] =	dma.local [spmem:s13], $0x2800  }
0xb3: {  	_ =	swait.ge [sflag:s14], $0x2800  }
0xb4: {  	[sflag:s14] =	ssyncset.done $0x0  }
0xb5: {  	[sflag:s14] =	ssyncadd.s32 $0xFFFFD800  }
0xb6: {  	_ =	sfence.sel $0x180000  }
0xb7: {  	[bflag:$0x0] =	sbarrier.arrive $0xFFFF  }
0xb8: {  	p0 =	sne.s32 s0, $0x0;
	_ =	strace $0x90000047  }
0xb9: {  	s0 =	sadd.s32 @!p0 $0x100000, s2;
	[bflag:$0x2] =	sbarrier.arrive $0xFFFF  }
0xba: {  	[sflag:s0] =	ssyncadd.tile.s32 @!p0 $0x1;
	_ =	shalt  }
.Lfunc_end2:
_tile_overlayer_lowered:
.L_overlay_start_2:
0xbb: {  	(tag) =	ssettag $0x2  }
0xbc: {  	s0 =	rddreg [dreg:$0x0];
	s2 =	stileid.u32  }
0xbd: {  	s1 =	rddreg [dreg:$0x1];
	p0 =	sne.s32 s2, $0x0  }
0xbe: {  	s3 =	rddreg [dreg:$0x2];
	[bflag:$0x3] =	sbarrier.arrive $0xFFFF;
	s2 =	simm.s32 @!p0 $0x1C02  }
0xbf: {  	[timem:s3], [sflag:s2] =	dma.local @!p0 [hbm:s0], s1  }
0xc0: {  	s0 =	simm.s32 @!p0 $0x2  }
0xc1: {  	_ =	swait.ge @!p0 [sflag:s0], s1  }
0xc2: {  	s1 =	ssub.s32 @!p0 $0x0, s1;
	[sflag:s0] =	ssyncset.done @!p0 $0x0  }
0xc3: {  	[sflag:s0] =	ssyncadd.s32 @!p0 s1  }
0xc4: {  	[bflag:$0x3] =	sbarrier.arrive $0xFFFF  }
0xc5: {  	_ =	shalt  }

</sc_bundles>
